<compile_context>
chip_gen: v7x
topology: tpu7x:2x2x1
jax: 0.10.2.dev20260603
libtpu: 0.0.44.dev20260713+nightly
codegen_flags: <defaults>
</compile_context>

<pallas_src>
import functools

import jax
import jax.numpy as jnp
from jax import lax
from jax.experimental import pallas as pl
from jax.experimental.pallas import tpu as pltpu
from jax.experimental.pallas import tpu_sc as plsc

LANES = 16


def _make_sc_kernel(KS, D, BL, B, L, nw, interpret=False):
    rpw = BL // nw
    R = 16
    NBUF = 4
    n_chunks = rpw // R

    mesh = plsc.VectorSubcoreMesh(core_axis_name="c", subcore_axis_name="s")
    NC = mesh.num_cores

    @functools.partial(
        pl.kernel,
        out_type=jax.ShapeDtypeStruct((BL, D), jnp.float32),
        mesh=mesh,
        scratch_types=[
            pltpu.VMEM((rpw,), jnp.int32),
            pltpu.VMEM((rpw,), jnp.int32),
            pltpu.VMEM((LANES,), jnp.int32),
            pltpu.VMEM((LANES,), jnp.int32),
            pltpu.VMEM((LANES,), jnp.float32),
            pltpu.VMEM((R, D), jnp.float32),
            pltpu.VMEM((R, D), jnp.float32),
            pltpu.VMEM((R, D), jnp.float32),
            pltpu.VMEM((R, D), jnp.float32),
            pltpu.VMEM((R, D), jnp.float32),
            pltpu.VMEM((R, D), jnp.float32),
            pltpu.VMEM((R, D), jnp.float32),
            pltpu.VMEM((R, D), jnp.float32),
            pltpu.VMEM((R, D), jnp.float32),
            pltpu.VMEM((R, D), jnp.float32),
            pltpu.SemaphoreType.DMA,
            pltpu.SemaphoreType.DMA,
            pltpu.SemaphoreType.DMA,
            pltpu.SemaphoreType.DMA,
            pltpu.SemaphoreType.DMA,
            pltpu.SemaphoreType.DMA,
            pltpu.SemaphoreType.DMA,
        ],
        interpret=interpret,
    )
    def sc_kernel(table_hbm, corr_b_hbm, corr_a_hbm, base_b_hbm, base_a_hbm,
                  w_hbm, out_hbm, idxb_v, idxa_v, bb_v, ba_v, w_v,
                  gb0, gb1, gb2, gb3, ga0, ga1, ga2, ga3, ob0, ob1,
                  gsem0, gsem1, gsem2, gsem3, osem0, osem1, psem):
        wid = lax.axis_index("s") * NC + lax.axis_index("c")
        row0 = wid * rpw
        b = row0 // L

        stage = (
            pltpu.async_copy(corr_b_hbm.at[pl.ds(row0, rpw)], idxb_v, psem),
            pltpu.async_copy(corr_a_hbm.at[pl.ds(row0, rpw)], idxa_v, psem),
            pltpu.async_copy(base_b_hbm.at[b], bb_v, psem),
            pltpu.async_copy(base_a_hbm.at[b], ba_v, psem),
            pltpu.async_copy(w_hbm.at[b], w_v, psem),
        )
        for cp in stage:
            cp.wait()
        bb = bb_v[...]
        ba = ba_v[...]
        wv = w_v[...]

        gbufs = ((gb0, ga0, gsem0), (gb1, ga1, gsem1),
                 (gb2, ga2, gsem2), (gb3, ga3, gsem3))
        obufs = ((ob0, osem0), (ob1, osem1))

        def gather_descs(g, par):
            gbuf_b, gbuf_a, gsem = gbufs[par]
            idx_b = idxb_v[pl.ds(g * R, R)] + bb
            idx_a = idxa_v[pl.ds(g * R, R)] + ba
            db = pltpu.make_async_copy(table_hbm.at[idx_b], gbuf_b, gsem)
            da = pltpu.make_async_copy(table_hbm.at[idx_a], gbuf_a, gsem)
            return db, da

        for g0 in range(NBUF - 1):
            dpb, dpa = gather_descs(g0, g0)
            dpb.start()
            dpa.start()

        def quad(go, carry):
            for par in range(NBUF):
                g = go * NBUF + par
                gbuf_b, gbuf_a, _ = gbufs[par]
                obuf, osem = obufs[par % 2]

                @pl.when(g + NBUF - 1 < n_chunks)
                def _issue_ahead():
                    dnb, dna = gather_descs(g + NBUF - 1, (par + NBUF - 1) % NBUF)
                    dnb.start()
                    dna.start()

                dwb, dwa = gather_descs(g, par)
                dwb.wait()
                dwa.wait()

                @pl.when(g >= 2)
                def _drain_prev_write():
                    pltpu.make_async_copy(
                        obuf, out_hbm.at[pl.ds(row0 + (g - 2) * R, R)], osem
                    ).wait()

                def blend_row(r, c2):
                    @plsc.parallel_loop(0, D // LANES, unroll=16)
                    def _blend_col(c):
                        xb = gbuf_b[r, pl.ds(c * LANES, LANES)]
                        xa = gbuf_a[r, pl.ds(c * LANES, LANES)]
                        obuf[r, pl.ds(c * LANES, LANES)] = xb + wv * (xa - xb)
                    return c2

                lax.fori_loop(0, R, blend_row, 0)
                pltpu.async_copy(obuf, out_hbm.at[pl.ds(row0 + g * R, R)], osem)
            return carry

        lax.fori_loop(0, n_chunks // NBUF, quad, 0)

        for j in range(2):
            g_last = n_chunks - 2 + j
            obuf, osem = obufs[g_last % 2]
            pltpu.make_async_copy(
                obuf, out_hbm.at[pl.ds(row0 + g_last * R, R)], osem
            ).wait()

    return sc_kernel


def kernel(keyframe_attns, w, before_idx, after_idx, corr_before, corr_after):
    K, S, D = keyframe_attns.shape
    B, L = corr_before.shape
    nw = 32
    table = keyframe_attns.reshape(K * S, D)
    corr_b = corr_before.reshape(B * L).astype(jnp.int32)
    corr_a = corr_after.reshape(B * L).astype(jnp.int32)
    base_b = jnp.broadcast_to((before_idx.astype(jnp.int32) * S)[:, None], (B, LANES))
    base_a = jnp.broadcast_to((after_idx.astype(jnp.int32) * S)[:, None], (B, LANES))
    w_rep = jnp.broadcast_to(w.astype(jnp.float32)[:, None], (B, LANES))
    sc = _make_sc_kernel(K * S, D, B * L, B, L, nw)
    out = sc(table, corr_b, corr_a, base_b, base_a, w_rep)
    return out.reshape(B, L, D)

# --- scband reference (transcript-rebuilt; emitter-appended) ---
"""Pipeline reference for scband-corresponding-attention-76192719831968 (READ-ONLY COPY).

The authoritative reference and input builder live on the scoring server;
editing this copy changes nothing except your own understanding.
"""

import jax, jax.numpy as jnp
import numpy as np

K, B, L, D, S = 8, 16, 2048, 768, 2048

def setup_inputs(seed: int = 0) -> dict:
    key = jax.random.key(seed)
    k1, k2, k3, k4, k5, k6 = jax.random.split(key, 6)
    keyframe_attns = jax.random.normal(k1, (K, S, D), dtype=jnp.float32)
    w = jax.random.uniform(k2, (B,), dtype=jnp.float32)
    before_idx = jax.random.randint(k3, (B,), 0, K)
    after_idx = jax.random.randint(k4, (B,), 0, K)
    corr_before = jax.random.randint(k5, (B, L), 0, S)
    corr_after = jax.random.randint(k6, (B, L), 0, S)
    return {"keyframe_attns": keyframe_attns, "w": w, "before_idx": before_idx,
            "after_idx": after_idx, "corr_before": corr_before, "corr_after": corr_after}

def reference(keyframe_attns, w, before_idx, after_idx, corr_before, corr_after):
    # Gather per-correspondence keyframe attention banks (frame-level gather)
    before_kf = jnp.take(keyframe_attns, before_idx, axis=0)  # [B, S, D]
    after_kf = jnp.take(keyframe_attns, after_idx, axis=0)    # [B, S, D]
    # Shuffle tokens by correspondence index maps (token-level gather)
    before_shuffled = jnp.take_along_axis(before_kf, corr_before[:, :, None], axis=1)  # [B, L, D]
    after_shuffled = jnp.take_along_axis(after_kf, corr_after[:, :, None], axis=1)     # [B, L, D]
    # Temporal linear interpolation: einsum('ijk,i->ijk', x, w)
    out = (1.0 - w)[:, None, None] * before_shuffled + w[:, None, None] * after_shuffled
    return out

if __name__ == "__main__":
    import jax
    _d = setup_inputs()
    print(jax.jit(kernel)(*tuple(_d.values())))

</pallas_src>

<mosaic_0001>
#map = affine_map<(d0, d1) -> (0, 0)>
#map1 = affine_map<(d0, d1) -> (0)>
module attributes {stable_mosaic.version = 14 : i64} {
  func.func @sc_kernel(%arg0: i32, %arg1: i32, %arg2: memref<16384x768xf32, #tpu.memory_space<hbm>>, %arg3: memref<32768xi32, #tpu.memory_space<hbm>>, %arg4: memref<32768xi32, #tpu.memory_space<hbm>>, %arg5: memref<16x16xi32, #tpu.memory_space<hbm>>, %arg6: memref<16x16xi32, #tpu.memory_space<hbm>>, %arg7: memref<16x16xf32, #tpu.memory_space<hbm>>, %arg8: memref<32768x768xf32, #tpu.memory_space<hbm>>, %arg9: memref<1024xi32, #tpu.memory_space<vmem>>, %arg10: memref<1024xi32, #tpu.memory_space<vmem>>, %arg11: memref<16xi32, #tpu.memory_space<vmem>>, %arg12: memref<16xi32, #tpu.memory_space<vmem>>, %arg13: memref<16xf32, #tpu.memory_space<vmem>>, %arg14: memref<16x768xf32, #tpu.memory_space<vmem>>, %arg15: memref<16x768xf32, #tpu.memory_space<vmem>>, %arg16: memref<16x768xf32, #tpu.memory_space<vmem>>, %arg17: memref<16x768xf32, #tpu.memory_space<vmem>>, %arg18: memref<16x768xf32, #tpu.memory_space<vmem>>, %arg19: memref<16x768xf32, #tpu.memory_space<vmem>>, %arg20: memref<16x768xf32, #tpu.memory_space<vmem>>, %arg21: memref<16x768xf32, #tpu.memory_space<vmem>>, %arg22: memref<16x768xf32, #tpu.memory_space<vmem>>, %arg23: memref<16x768xf32, #tpu.memory_space<vmem>>, %arg24: memref<!tpu.dma_semaphore, #tpu.memory_space<semaphore_mem>>, %arg25: memref<!tpu.dma_semaphore, #tpu.memory_space<semaphore_mem>>, %arg26: memref<!tpu.dma_semaphore, #tpu.memory_space<semaphore_mem>>, %arg27: memref<!tpu.dma_semaphore, #tpu.memory_space<semaphore_mem>>, %arg28: memref<!tpu.dma_semaphore, #tpu.memory_space<semaphore_mem>>, %arg29: memref<!tpu.dma_semaphore, #tpu.memory_space<semaphore_mem>>, %arg30: memref<!tpu.dma_semaphore, #tpu.memory_space<semaphore_mem>>) attributes {dimension_semantics = [#tpu.dimension_semantics<core_parallel>, #tpu.dimension_semantics<subcore_parallel>], iteration_bounds = array<i64: 2, 16>, scalar_prefetch = 0 : i64, scratch_operands = 22 : i64, tpu.core_type = #tpu.core_type<sc_vector_subcore>, window_params = [{transform_indices = #map}, {transform_indices = #map1}, {transform_indices = #map1}, {transform_indices = #map}, {transform_indices = #map}, {transform_indices = #map}, {transform_indices = #map}]} {
    %mul3A = arith.constant 2 : i32
    %mul3A_0 = arith.muli %arg1, %mul3A : i32
    %add3A = arith.addi %mul3A_0, %arg0 : i32
    %mul3A_1 = arith.constant 1024 : i32
    %mul3A_2 = arith.muli %add3A, %mul3A_1 : i32
    %jit3A = arith.constant 2048 : i32
    %div3A = arith.divsi %mul3A_2, %jit3A : i32
    %sign3A = arith.constant 0 : i32
    %sign3A_3 = arith.cmpi sgt, %mul3A_2, %sign3A : i32
    %sign3A_4 = arith.extui %sign3A_3 : i1 to i32
    %sign3A_5 = arith.constant 0 : i32
    %sign3A_6 = arith.cmpi slt, %mul3A_2, %sign3A_5 : i32
    %sign3A_7 = arith.extui %sign3A_6 : i1 to i32
    %sign3A_8 = arith.subi %sign3A_4, %sign3A_7 : i32
    %sign3A_9 = arith.constant 0 : i32
    %sign3A_10 = arith.cmpi sgt, %jit3A, %sign3A_9 : i32
    %sign3A_11 = arith.extui %sign3A_10 : i1 to i32
    %sign3A_12 = arith.constant 0 : i32
    %sign3A_13 = arith.cmpi slt, %jit3A, %sign3A_12 : i32
    %sign3A_14 = arith.extui %sign3A_13 : i1 to i32
    %sign3A_15 = arith.subi %sign3A_11, %sign3A_14 : i32
    %ne3A = arith.cmpi ne, %sign3A_8, %sign3A_15 : i32
    %rem3A = arith.remsi %mul3A_2, %jit3A : i32
    %ne3A_16 = arith.constant 0 : i32
    %ne3A_17 = arith.cmpi ne, %rem3A, %ne3A_16 : i32
    %and3A = arith.andi %ne3A, %ne3A_17 : i1
    %sub3A = arith.constant 1 : i32
    %sub3A_18 = arith.subi %div3A, %sub3A : i32
    %select_n3A = arith.select %and3A, %sub3A_18, %div3A : i32
    %dma_start3A = tpu.memref_slice %arg3[%mul3A_2] : memref<32768xi32, #tpu.memory_space<hbm>> -> memref<1024xi32, #tpu.memory_space<hbm>>
    %dma_start3A_19 = tpu.memref_slice %arg3[%mul3A_2] : memref<32768xi32, #tpu.memory_space<hbm>> -> memref<1024xi32, #tpu.memory_space<hbm>>
    tpu.enqueue_dma source(%dma_start3A_19 : memref<1024xi32, #tpu.memory_space<hbm>>) target(%arg9 : memref<1024xi32, #tpu.memory_space<vmem>>) target_semaphore(%arg30 : memref<!tpu.dma_semaphore, #tpu.memory_space<semaphore_mem>>)
    %dma_start3A_20 = tpu.memref_slice %arg4[%mul3A_2] : memref<32768xi32, #tpu.memory_space<hbm>> -> memref<1024xi32, #tpu.memory_space<hbm>>
    %dma_start3A_21 = tpu.memref_slice %arg4[%mul3A_2] : memref<32768xi32, #tpu.memory_space<hbm>> -> memref<1024xi32, #tpu.memory_space<hbm>>
    tpu.enqueue_dma source(%dma_start3A_21 : memref<1024xi32, #tpu.memory_space<hbm>>) target(%arg10 : memref<1024xi32, #tpu.memory_space<vmem>>) target_semaphore(%arg30 : memref<!tpu.dma_semaphore, #tpu.memory_space<semaphore_mem>>)
    %dma_start3A_22 = arith.constant 0 : i32
    %dma_start3A_23 = tpu.memref_slice %arg5[%select_n3A, %dma_start3A_22] : memref<16x16xi32, #tpu.memory_space<hbm>> -> memref<1x16xi32, #tpu.memory_space<hbm>>
    %dma_start3A_24 = tpu.memref_squeeze %dma_start3A_23 : memref<1x16xi32, #tpu.memory_space<hbm>> -> memref<16xi32, #tpu.memory_space<hbm>>
    %dma_start3A_25 = arith.constant 0 : i32
    %dma_start3A_26 = tpu.memref_slice %arg5[%select_n3A, %dma_start3A_25] : memref<16x16xi32, #tpu.memory_space<hbm>> -> memref<1x16xi32, #tpu.memory_space<hbm>>
    %dma_start3A_27 = tpu.memref_squeeze %dma_start3A_26 : memref<1x16xi32, #tpu.memory_space<hbm>> -> memref<16xi32, #tpu.memory_space<hbm>>
    tpu.enqueue_dma source(%dma_start3A_27 : memref<16xi32, #tpu.memory_space<hbm>>) target(%arg11 : memref<16xi32, #tpu.memory_space<vmem>>) target_semaphore(%arg30 : memref<!tpu.dma_semaphore, #tpu.memory_space<semaphore_mem>>)
    %dma_start3A_28 = arith.constant 0 : i32
    %dma_start3A_29 = tpu.memref_slice %arg6[%select_n3A, %dma_start3A_28] : memref<16x16xi32, #tpu.memory_space<hbm>> -> memref<1x16xi32, #tpu.memory_space<hbm>>
    %dma_start3A_30 = tpu.memref_squeeze %dma_start3A_29 : memref<1x16xi32, #tpu.memory_space<hbm>> -> memref<16xi32, #tpu.memory_space<hbm>>
    %dma_start3A_31 = arith.constant 0 : i32
    %dma_start3A_32 = tpu.memref_slice %arg6[%select_n3A, %dma_start3A_31] : memref<16x16xi32, #tpu.memory_space<hbm>> -> memref<1x16xi32, #tpu.memory_space<hbm>>
    %dma_start3A_33 = tpu.memref_squeeze %dma_start3A_32 : memref<1x16xi32, #tpu.memory_space<hbm>> -> memref<16xi32, #tpu.memory_space<hbm>>
    tpu.enqueue_dma source(%dma_start3A_33 : memref<16xi32, #tpu.memory_space<hbm>>) target(%arg12 : memref<16xi32, #tpu.memory_space<vmem>>) target_semaphore(%arg30 : memref<!tpu.dma_semaphore, #tpu.memory_space<semaphore_mem>>)
    %dma_start3A_34 = arith.constant 0 : i32
    %dma_start3A_35 = tpu.memref_slice %arg7[%select_n3A, %dma_start3A_34] : memref<16x16xf32, #tpu.memory_space<hbm>> -> memref<1x16xf32, #tpu.memory_space<hbm>>
    %dma_start3A_36 = tpu.memref_squeeze %dma_start3A_35 : memref<1x16xf32, #tpu.memory_space<hbm>> -> memref<16xf32, #tpu.memory_space<hbm>>
    %dma_start3A_37 = arith.constant 0 : i32
    %dma_start3A_38 = tpu.memref_slice %arg7[%select_n3A, %dma_start3A_37] : memref<16x16xf32, #tpu.memory_space<hbm>> -> memref<1x16xf32, #tpu.memory_space<hbm>>
    %dma_start3A_39 = tpu.memref_squeeze %dma_start3A_38 : memref<1x16xf32, #tpu.memory_space<hbm>> -> memref<16xf32, #tpu.memory_space<hbm>>
    tpu.enqueue_dma source(%dma_start3A_39 : memref<16xf32, #tpu.memory_space<hbm>>) target(%arg13 : memref<16xf32, #tpu.memory_space<vmem>>) target_semaphore(%arg30 : memref<!tpu.dma_semaphore, #tpu.memory_space<semaphore_mem>>)
    %dma_wait3A = tpu.memref_slice %arg3[%mul3A_2] : memref<32768xi32, #tpu.memory_space<hbm>> -> memref<1024xi32, #tpu.memory_space<hbm>>
    %dma_wait3A_40 = tpu.memref_slice %arg3[%mul3A_2] : memref<32768xi32, #tpu.memory_space<hbm>> -> memref<1024xi32, #tpu.memory_space<hbm>>
    tpu.wait_dma2 semaphore(%arg30 : memref<!tpu.dma_semaphore, #tpu.memory_space<semaphore_mem>>) src(%dma_wait3A_40 : memref<1024xi32, #tpu.memory_space<hbm>>) dst(%arg9 : memref<1024xi32, #tpu.memory_space<vmem>>)
    %dma_wait3A_41 = tpu.memref_slice %arg4[%mul3A_2] : memref<32768xi32, #tpu.memory_space<hbm>> -> memref<1024xi32, #tpu.memory_space<hbm>>
    %dma_wait3A_42 = tpu.memref_slice %arg4[%mul3A_2] : memref<32768xi32, #tpu.memory_space<hbm>> -> memref<1024xi32, #tpu.memory_space<hbm>>
    tpu.wait_dma2 semaphore(%arg30 : memref<!tpu.dma_semaphore, #tpu.memory_space<semaphore_mem>>) src(%dma_wait3A_42 : memref<1024xi32, #tpu.memory_space<hbm>>) dst(%arg10 : memref<1024xi32, #tpu.memory_space<vmem>>)
    %dma_wait3A_43 = arith.constant 0 : i32
    %dma_wait3A_44 = tpu.memref_slice %arg5[%select_n3A, %dma_wait3A_43] : memref<16x16xi32, #tpu.memory_space<hbm>> -> memref<1x16xi32, #tpu.memory_space<hbm>>
    %dma_wait3A_45 = tpu.memref_squeeze %dma_wait3A_44 : memref<1x16xi32, #tpu.memory_space<hbm>> -> memref<16xi32, #tpu.memory_space<hbm>>
    %dma_wait3A_46 = arith.constant 0 : i32
    %dma_wait3A_47 = tpu.memref_slice %arg5[%select_n3A, %dma_wait3A_46] : memref<16x16xi32, #tpu.memory_space<hbm>> -> memref<1x16xi32, #tpu.memory_space<hbm>>
    %dma_wait3A_48 = tpu.memref_squeeze %dma_wait3A_47 : memref<1x16xi32, #tpu.memory_space<hbm>> -> memref<16xi32, #tpu.memory_space<hbm>>
    tpu.wait_dma2 semaphore(%arg30 : memref<!tpu.dma_semaphore, #tpu.memory_space<semaphore_mem>>) src(%dma_wait3A_48 : memref<16xi32, #tpu.memory_space<hbm>>) dst(%arg11 : memref<16xi32, #tpu.memory_space<vmem>>)
    %dma_wait3A_49 = arith.constant 0 : i32
    %dma_wait3A_50 = tpu.memref_slice %arg6[%select_n3A, %dma_wait3A_49] : memref<16x16xi32, #tpu.memory_space<hbm>> -> memref<1x16xi32, #tpu.memory_space<hbm>>
    %dma_wait3A_51 = tpu.memref_squeeze %dma_wait3A_50 : memref<1x16xi32, #tpu.memory_space<hbm>> -> memref<16xi32, #tpu.memory_space<hbm>>
    %dma_wait3A_52 = arith.constant 0 : i32
    %dma_wait3A_53 = tpu.memref_slice %arg6[%select_n3A, %dma_wait3A_52] : memref<16x16xi32, #tpu.memory_space<hbm>> -> memref<1x16xi32, #tpu.memory_space<hbm>>
    %dma_wait3A_54 = tpu.memref_squeeze %dma_wait3A_53 : memref<1x16xi32, #tpu.memory_space<hbm>> -> memref<16xi32, #tpu.memory_space<hbm>>
    tpu.wait_dma2 semaphore(%arg30 : memref<!tpu.dma_semaphore, #tpu.memory_space<semaphore_mem>>) src(%dma_wait3A_54 : memref<16xi32, #tpu.memory_space<hbm>>) dst(%arg12 : memref<16xi32, #tpu.memory_space<vmem>>)
    %dma_wait3A_55 = arith.constant 0 : i32
    %dma_wait3A_56 = tpu.memref_slice %arg7[%select_n3A, %dma_wait3A_55] : memref<16x16xf32, #tpu.memory_space<hbm>> -> memref<1x16xf32, #tpu.memory_space<hbm>>
    %dma_wait3A_57 = tpu.memref_squeeze %dma_wait3A_56 : memref<1x16xf32, #tpu.memory_space<hbm>> -> memref<16xf32, #tpu.memory_space<hbm>>
    %dma_wait3A_58 = arith.constant 0 : i32
    %dma_wait3A_59 = tpu.memref_slice %arg7[%select_n3A, %dma_wait3A_58] : memref<16x16xf32, #tpu.memory_space<hbm>> -> memref<1x16xf32, #tpu.memory_space<hbm>>
    %dma_wait3A_60 = tpu.memref_squeeze %dma_wait3A_59 : memref<1x16xf32, #tpu.memory_space<hbm>> -> memref<16xf32, #tpu.memory_space<hbm>>
    tpu.wait_dma2 semaphore(%arg30 : memref<!tpu.dma_semaphore, #tpu.memory_space<semaphore_mem>>) src(%dma_wait3A_60 : memref<16xf32, #tpu.memory_space<hbm>>) dst(%arg13 : memref<16xf32, #tpu.memory_space<vmem>>)
    %get3A = arith.constant 0 : index
    %get3A_61 = tpu.vector_load %arg11[%get3A] {strides = array<i32>} : memref<16xi32, #tpu.memory_space<vmem>>, vector<16xi32>,
    %get3A_62 = vector.shape_cast %get3A_61 : vector<16xi32> to vector<16xi32>
    %get3A_63 = arith.constant 0 : index
    %get3A_64 = tpu.vector_load %arg12[%get3A_63] {strides = array<i32>} : memref<16xi32, #tpu.memory_space<vmem>>, vector<16xi32>,
    %get3A_65 = vector.shape_cast %get3A_64 : vector<16xi32> to vector<16xi32>
    %get3A_66 = arith.constant 0 : index
    %get3A_67 = tpu.vector_load %arg13[%get3A_66] {strides = array<i32>} : memref<16xf32, #tpu.memory_space<vmem>>, vector<16xf32>,
    %get3A_68 = vector.shape_cast %get3A_67 : vector<16xf32> to vector<16xf32>
    %get3A_69 = arith.constant 0 : index
    %get3A_70 = tpu.vector_load %arg9[%get3A_69] {strides = array<i32>} : memref<1024xi32, #tpu.memory_space<vmem>>, vector<16xi32>,
    %get3A_71 = vector.shape_cast %get3A_70 : vector<16xi32> to vector<16xi32>
    %add3A_72 = arith.addi %get3A_71, %get3A_62 : vector<16xi32>
    %get3A_73 = arith.constant 0 : index
    %get3A_74 = tpu.vector_load %arg10[%get3A_73] {strides = array<i32>} : memref<1024xi32, #tpu.memory_space<vmem>>, vector<16xi32>,
    %get3A_75 = vector.shape_cast %get3A_74 : vector<16xi32> to vector<16xi32>
    %add3A_76 = arith.addi %get3A_75, %get3A_65 : vector<16xi32>
    %dma_start3A_77 = arith.constant 0 : i32
    %dma_start3A_78 = arith.constant 0 : i32
    %dma_start3A_79 = tpu.memref_slice %arg2[%dma_start3A_77, %dma_start3A_78] : memref<16384x768xf32, #tpu.memory_space<hbm>> -> memref<16384x768xf32, #tpu.memory_space<hbm>>
    tpu.enqueue_indirect_dma source(%dma_start3A_79 : memref<16384x768xf32, #tpu.memory_space<hbm>>) target(%arg14 : memref<16x768xf32, #tpu.memory_space<vmem>>) offsets(%add3A_72 : vector<16xi32>) semaphore(%arg24 : memref<!tpu.dma_semaphore, #tpu.memory_space<semaphore_mem>>)
    %dma_start3A_80 = arith.constant 0 : i32
    %dma_start3A_81 = arith.constant 0 : i32
    %dma_start3A_82 = tpu.memref_slice %arg2[%dma_start3A_80, %dma_start3A_81] : memref<16384x768xf32, #tpu.memory_space<hbm>> -> memref<16384x768xf32, #tpu.memory_space<hbm>>
    tpu.enqueue_indirect_dma source(%dma_start3A_82 : memref<16384x768xf32, #tpu.memory_space<hbm>>) target(%arg18 : memref<16x768xf32, #tpu.memory_space<vmem>>) offsets(%add3A_76 : vector<16xi32>) semaphore(%arg24 : memref<!tpu.dma_semaphore, #tpu.memory_space<semaphore_mem>>)
    %get3A_83 = arith.constant 16 : index
    %get3A_84 = tpu.vector_load %arg9[%get3A_83] {strides = array<i32>} : memref<1024xi32, #tpu.memory_space<vmem>>, vector<16xi32>,
    %get3A_85 = vector.shape_cast %get3A_84 : vector<16xi32> to vector<16xi32>
    %add3A_86 = arith.addi %get3A_85, %get3A_62 : vector<16xi32>
    %get3A_87 = arith.constant 16 : index
    %get3A_88 = tpu.vector_load %arg10[%get3A_87] {strides = array<i32>} : memref<1024xi32, #tpu.memory_space<vmem>>, vector<16xi32>,
    %get3A_89 = vector.shape_cast %get3A_88 : vector<16xi32> to vector<16xi32>
    %add3A_90 = arith.addi %get3A_89, %get3A_65 : vector<16xi32>
    %dma_start3A_91 = arith.constant 0 : i32
    %dma_start3A_92 = arith.constant 0 : i32
    %dma_start3A_93 = tpu.memref_slice %arg2[%dma_start3A_91, %dma_start3A_92] : memref<16384x768xf32, #tpu.memory_space<hbm>> -> memref<16384x768xf32, #tpu.memory_space<hbm>>
    tpu.enqueue_indirect_dma source(%dma_start3A_93 : memref<16384x768xf32, #tpu.memory_space<hbm>>) target(%arg15 : memref<16x768xf32, #tpu.memory_space<vmem>>) offsets(%add3A_86 : vector<16xi32>) semaphore(%arg25 : memref<!tpu.dma_semaphore, #tpu.memory_space<semaphore_mem>>)
    %dma_start3A_94 = arith.constant 0 : i32
    %dma_start3A_95 = arith.constant 0 : i32
    %dma_start3A_96 = tpu.memref_slice %arg2[%dma_start3A_94, %dma_start3A_95] : memref<16384x768xf32, #tpu.memory_space<hbm>> -> memref<16384x768xf32, #tpu.memory_space<hbm>>
    tpu.enqueue_indirect_dma source(%dma_start3A_96 : memref<16384x768xf32, #tpu.memory_space<hbm>>) target(%arg19 : memref<16x768xf32, #tpu.memory_space<vmem>>) offsets(%add3A_90 : vector<16xi32>) semaphore(%arg25 : memref<!tpu.dma_semaphore, #tpu.memory_space<semaphore_mem>>)
    %get3A_97 = arith.constant 32 : index
    %get3A_98 = tpu.vector_load %arg9[%get3A_97] {strides = array<i32>} : memref<1024xi32, #tpu.memory_space<vmem>>, vector<16xi32>,
    %get3A_99 = vector.shape_cast %get3A_98 : vector<16xi32> to vector<16xi32>
    %add3A_100 = arith.addi %get3A_99, %get3A_62 : vector<16xi32>
    %get3A_101 = arith.constant 32 : index
    %get3A_102 = tpu.vector_load %arg10[%get3A_101] {strides = array<i32>} : memref<1024xi32, #tpu.memory_space<vmem>>, vector<16xi32>,
    %get3A_103 = vector.shape_cast %get3A_102 : vector<16xi32> to vector<16xi32>
    %add3A_104 = arith.addi %get3A_103, %get3A_65 : vector<16xi32>
    %dma_start3A_105 = arith.constant 0 : i32
    %dma_start3A_106 = arith.constant 0 : i32
    %dma_start3A_107 = tpu.memref_slice %arg2[%dma_start3A_105, %dma_start3A_106] : memref<16384x768xf32, #tpu.memory_space<hbm>> -> memref<16384x768xf32, #tpu.memory_space<hbm>>
    tpu.enqueue_indirect_dma source(%dma_start3A_107 : memref<16384x768xf32, #tpu.memory_space<hbm>>) target(%arg16 : memref<16x768xf32, #tpu.memory_space<vmem>>) offsets(%add3A_100 : vector<16xi32>) semaphore(%arg26 : memref<!tpu.dma_semaphore, #tpu.memory_space<semaphore_mem>>)
    %dma_start3A_108 = arith.constant 0 : i32
    %dma_start3A_109 = arith.constant 0 : i32
    %dma_start3A_110 = tpu.memref_slice %arg2[%dma_start3A_108, %dma_start3A_109] : memref<16384x768xf32, #tpu.memory_space<hbm>> -> memref<16384x768xf32, #tpu.memory_space<hbm>>
    tpu.enqueue_indirect_dma source(%dma_start3A_110 : memref<16384x768xf32, #tpu.memory_space<hbm>>) target(%arg20 : memref<16x768xf32, #tpu.memory_space<vmem>>) offsets(%add3A_104 : vector<16xi32>) semaphore(%arg26 : memref<!tpu.dma_semaphore, #tpu.memory_space<semaphore_mem>>)
    %scan3A = arith.constant 0 : i32
    %scan3A_111 = arith.constant 0 : i32
    %scan3A_112 = arith.constant 16 : i32
    %scan3A_113 = arith.addi %scan3A_111, %scan3A_112 : i32
    %scan3A_114 = arith.constant 1 : i32
    scf.for %scan3A_128 = %scan3A_111 to %scan3A_113 step %scan3A_114  : i32 {
      %mul3A_129 = arith.constant 4 : i32
      %mul3A_130 = arith.muli %scan3A_128, %mul3A_129 : i32
      %add3A_131 = arith.constant 0 : i32
      %add3A_132 = arith.addi %mul3A_130, %add3A_131 : i32
      %add3A_133 = arith.constant 4 : i32
      %add3A_134 = arith.addi %add3A_132, %add3A_133 : i32
      %sub3A_135 = arith.constant 1 : i32
      %sub3A_136 = arith.subi %add3A_134, %sub3A_135 : i32
      %lt3A = arith.constant 64 : i32
      %lt3A_137 = arith.cmpi slt, %sub3A_136, %lt3A : i32
      %convert_element_type3A = arith.extui %lt3A_137 : i1 to i32
      %cond3A = arith.constant 0 : i32
      %cond3A_138 = arith.cmpi ne, %convert_element_type3A, %cond3A : i32
      scf.if %cond3A_138 {
        %add3A_321 = arith.constant 4 : i32
        %add3A_322 = arith.addi %add3A_132, %add3A_321 : i32
        %sub3A_323 = arith.constant 1 : i32
        %sub3A_324 = arith.subi %add3A_322, %sub3A_323 : i32
        %mul3A_325 = arith.constant 16 : i32
        %mul3A_326 = arith.muli %sub3A_324, %mul3A_325 : i32
        %get3A_327 = arith.index_cast %mul3A_326 : i32 to index
        %get3A_328 = tpu.vector_load %arg9[%get3A_327] {strides = array<i32>} : memref<1024xi32, #tpu.memory_space<vmem>>, vector<16xi32>,
        %get3A_329 = vector.shape_cast %get3A_328 : vector<16xi32> to vector<16xi32>
        %add3A_330 = arith.addi %get3A_329, %get3A_62 : vector<16xi32>
        %mul3A_331 = arith.constant 16 : i32
        %mul3A_332 = arith.muli %sub3A_324, %mul3A_331 : i32
        %get3A_333 = arith.index_cast %mul3A_332 : i32 to index
        %get3A_334 = tpu.vector_load %arg10[%get3A_333] {strides = array<i32>} : memref<1024xi32, #tpu.memory_space<vmem>>, vector<16xi32>,
        %get3A_335 = vector.shape_cast %get3A_334 : vector<16xi32> to vector<16xi32>
        %add3A_336 = arith.addi %get3A_335, %get3A_65 : vector<16xi32>
        %dma_start3A_337 = arith.constant 0 : i32
        %dma_start3A_338 = arith.constant 0 : i32
        %dma_start3A_339 = tpu.memref_slice %arg2[%dma_start3A_337, %dma_start3A_338] : memref<16384x768xf32, #tpu.memory_space<hbm>> -> memref<16384x768xf32, #tpu.memory_space<hbm>>
        tpu.enqueue_indirect_dma source(%dma_start3A_339 : memref<16384x768xf32, #tpu.memory_space<hbm>>) target(%arg17 : memref<16x768xf32, #tpu.memory_space<vmem>>) offsets(%add3A_330 : vector<16xi32>) semaphore(%arg27 : memref<!tpu.dma_semaphore, #tpu.memory_space<semaphore_mem>>)
        %dma_start3A_340 = arith.constant 0 : i32
        %dma_start3A_341 = arith.constant 0 : i32
        %dma_start3A_342 = tpu.memref_slice %arg2[%dma_start3A_340, %dma_start3A_341] : memref<16384x768xf32, #tpu.memory_space<hbm>> -> memref<16384x768xf32, #tpu.memory_space<hbm>>
        tpu.enqueue_indirect_dma source(%dma_start3A_342 : memref<16384x768xf32, #tpu.memory_space<hbm>>) target(%arg21 : memref<16x768xf32, #tpu.memory_space<vmem>>) offsets(%add3A_336 : vector<16xi32>) semaphore(%arg27 : memref<!tpu.dma_semaphore, #tpu.memory_space<semaphore_mem>>)
      } else {
      }
      %mul3A_139 = arith.constant 16 : i32
      %mul3A_140 = arith.muli %add3A_132, %mul3A_139 : i32
      %get3A_141 = arith.index_cast %mul3A_140 : i32 to index
      %get3A_142 = tpu.vector_load %arg9[%get3A_141] {strides = array<i32>} : memref<1024xi32, #tpu.memory_space<vmem>>, vector<16xi32>,
      %get3A_143 = vector.shape_cast %get3A_142 : vector<16xi32> to vector<16xi32>
      %add3A_144 = arith.addi %get3A_143, %get3A_62 : vector<16xi32>
      %mul3A_145 = arith.constant 16 : i32
      %mul3A_146 = arith.muli %add3A_132, %mul3A_145 : i32
      %get3A_147 = arith.index_cast %mul3A_146 : i32 to index
      %get3A_148 = tpu.vector_load %arg10[%get3A_147] {strides = array<i32>} : memref<1024xi32, #tpu.memory_space<vmem>>, vector<16xi32>,
      %get3A_149 = vector.shape_cast %get3A_148 : vector<16xi32> to vector<16xi32>
      %add3A_150 = arith.addi %get3A_149, %get3A_65 : vector<16xi32>
      %dma_wait3A_151 = arith.constant 0 : i32
      %dma_wait3A_152 = arith.constant 0 : i32
      %dma_wait3A_153 = tpu.memref_slice %arg2[%dma_wait3A_151, %dma_wait3A_152] : memref<16384x768xf32, #tpu.memory_space<hbm>> -> memref<16384x768xf32, #tpu.memory_space<hbm>>
      tpu.wait_indirect_dma semaphore(%arg24 : memref<!tpu.dma_semaphore, #tpu.memory_space<semaphore_mem>>) src(%dma_wait3A_153 : memref<16384x768xf32, #tpu.memory_space<hbm>>) dst(%arg14 : memref<16x768xf32, #tpu.memory_space<vmem>>)
      %dma_wait3A_154 = arith.constant 0 : i32
      %dma_wait3A_155 = arith.constant 0 : i32
      %dma_wait3A_156 = tpu.memref_slice %arg2[%dma_wait3A_154, %dma_wait3A_155] : memref<16384x768xf32, #tpu.memory_space<hbm>> -> memref<16384x768xf32, #tpu.memory_space<hbm>>
      tpu.wait_indirect_dma semaphore(%arg24 : memref<!tpu.dma_semaphore, #tpu.memory_space<semaphore_mem>>) src(%dma_wait3A_156 : memref<16384x768xf32, #tpu.memory_space<hbm>>) dst(%arg18 : memref<16x768xf32, #tpu.memory_space<vmem>>)
      %ge3A = arith.constant 2 : i32
      %ge3A_157 = arith.cmpi sge, %add3A_132, %ge3A : i32
      %convert_element_type3A_158 = arith.extui %ge3A_157 : i1 to i32
      %cond3A_159 = arith.constant 0 : i32
      %cond3A_160 = arith.cmpi ne, %convert_element_type3A_158, %cond3A_159 : i32
      scf.if %cond3A_160 {
        %sub3A_321 = arith.constant 2 : i32
        %sub3A_322 = arith.subi %add3A_132, %sub3A_321 : i32
        %mul3A_323 = arith.constant 16 : i32
        %mul3A_324 = arith.muli %sub3A_322, %mul3A_323 : i32
        %add3A_325 = arith.addi %mul3A_2, %mul3A_324 : i32
        %dma_wait3A_326 = arith.constant 0 : i32
        %dma_wait3A_327 = tpu.memref_slice %arg8[%add3A_325, %dma_wait3A_326] : memref<32768x768xf32, #tpu.memory_space<hbm>> -> memref<16x768xf32, #tpu.memory_space<hbm>>
        %dma_wait3A_328 = arith.constant 0 : i32
        %dma_wait3A_329 = tpu.memref_slice %arg8[%add3A_325, %dma_wait3A_328] : memref<32768x768xf32, #tpu.memory_space<hbm>> -> memref<16x768xf32, #tpu.memory_space<hbm>>
        tpu.wait_dma2 semaphore(%arg28 : memref<!tpu.dma_semaphore, #tpu.memory_space<semaphore_mem>>) src(%arg22 : memref<16x768xf32, #tpu.memory_space<vmem>>) dst(%dma_wait3A_329 : memref<16x768xf32, #tpu.memory_space<hbm>>)
      } else {
      }
      %scan3A_161 = arith.constant 0 : i32
      %scan3A_162 = arith.constant 0 : i32
      %scan3A_163 = arith.constant 16 : i32
      %scan3A_164 = arith.addi %scan3A_162, %scan3A_163 : i32
      %scan3A_165 = arith.constant 1 : i32
      scf.for %scan3A_321 = %scan3A_162 to %scan3A_164 step %scan3A_165  : i32 {
        %parallel_loop3A = arith.constant 0 : i32
        %parallel_loop3A_322 = arith.constant 48 : i32
        %parallel_loop3A_323 = arith.constant 1 : i32
        scf.for %parallel_loop3A_324 = %parallel_loop3A to %parallel_loop3A_322 step %parallel_loop3A_323  : i32 {
          %parallel_loop3A_325 = arith.constant 16 : i32
          %parallel_loop3A_326 = arith.muli %parallel_loop3A_324, %parallel_loop3A_325 : i32
          %parallel_loop3A_327 = arith.index_cast %scan3A_321 : i32 to index
          %parallel_loop3A_328 = arith.index_cast %parallel_loop3A_326 : i32 to index
          %parallel_loop3A_329 = tpu.vector_load %arg14[%parallel_loop3A_327, %parallel_loop3A_328] {strides = array<i32>} : memref<16x768xf32, #tpu.memory_space<vmem>>, vector<1x16xf32>,
          %parallel_loop3A_330 = vector.shape_cast %parallel_loop3A_329 : vector<1x16xf32> to vector<16xf32>
          %parallel_loop3A_331 = arith.constant 16 : i32
          %parallel_loop3A_332 = arith.muli %parallel_loop3A_324, %parallel_loop3A_331 : i32
          %parallel_loop3A_333 = arith.index_cast %scan3A_321 : i32 to index
          %parallel_loop3A_334 = arith.index_cast %parallel_loop3A_332 : i32 to index
          %parallel_loop3A_335 = tpu.vector_load %arg18[%parallel_loop3A_333, %parallel_loop3A_334] {strides = array<i32>} : memref<16x768xf32, #tpu.memory_space<vmem>>, vector<1x16xf32>,
          %parallel_loop3A_336 = vector.shape_cast %parallel_loop3A_335 : vector<1x16xf32> to vector<16xf32>
          %parallel_loop3A_337 = arith.subf %parallel_loop3A_336, %parallel_loop3A_330 : vector<16xf32>
          %parallel_loop3A_338 = arith.mulf %get3A_68, %parallel_loop3A_337 : vector<16xf32>
          %parallel_loop3A_339 = arith.addf %parallel_loop3A_330, %parallel_loop3A_338 : vector<16xf32>
          %parallel_loop3A_340 = arith.constant 16 : i32
          %parallel_loop3A_341 = arith.muli %parallel_loop3A_324, %parallel_loop3A_340 : i32
          %parallel_loop3A_342 = arith.index_cast %scan3A_321 : i32 to index
          %parallel_loop3A_343 = arith.index_cast %parallel_loop3A_341 : i32 to index
          %parallel_loop3A_344 = tpu.vector_load %arg22[%parallel_loop3A_342, %parallel_loop3A_343] {strides = array<i32>} : memref<16x768xf32, #tpu.memory_space<vmem>>, vector<1x16xf32>,
          %parallel_loop3A_345 = vector.shape_cast %parallel_loop3A_344 : vector<1x16xf32> to vector<16xf32>
          %parallel_loop3A_346 = vector.shape_cast %parallel_loop3A_339 : vector<16xf32> to vector<1x16xf32>
          tpu.vector_store %arg22[%parallel_loop3A_342, %parallel_loop3A_343], %parallel_loop3A_346 {strides = array<i32>} : memref<16x768xf32, #tpu.memory_space<vmem>>, vector<1x16xf32>,
        } {sc.loop_unroll_factor = 16 : i64, sc.parallel_access}
      }
      %scan3A_166 = arith.constant 16 : i32
      %mul3A_167 = arith.constant 16 : i32
      %mul3A_168 = arith.muli %add3A_132, %mul3A_167 : i32
      %add3A_169 = arith.addi %mul3A_2, %mul3A_168 : i32
      %dma_start3A_170 = arith.constant 0 : i32
      %dma_start3A_171 = tpu.memref_slice %arg8[%add3A_169, %dma_start3A_170] : memref<32768x768xf32, #tpu.memory_space<hbm>> -> memref<16x768xf32, #tpu.memory_space<hbm>>
      %dma_start3A_172 = arith.constant 0 : i32
      %dma_start3A_173 = tpu.memref_slice %arg8[%add3A_169, %dma_start3A_172] : memref<32768x768xf32, #tpu.memory_space<hbm>> -> memref<16x768xf32, #tpu.memory_space<hbm>>
      tpu.enqueue_dma source(%arg22 : memref<16x768xf32, #tpu.memory_space<vmem>>) target(%dma_start3A_173 : memref<16x768xf32, #tpu.memory_space<hbm>>) target_semaphore(%arg28 : memref<!tpu.dma_semaphore, #tpu.memory_space<semaphore_mem>>)
      %mul3A_174 = arith.constant 4 : i32
      %mul3A_175 = arith.muli %scan3A_128, %mul3A_174 : i32
      %add3A_176 = arith.constant 1 : i32
      %add3A_177 = arith.addi %mul3A_175, %add3A_176 : i32
      %add3A_178 = arith.constant 4 : i32
      %add3A_179 = arith.addi %add3A_177, %add3A_178 : i32
      %sub3A_180 = arith.constant 1 : i32
      %sub3A_181 = arith.subi %add3A_179, %sub3A_180 : i32
      %lt3A_182 = arith.constant 64 : i32
      %lt3A_183 = arith.cmpi slt, %sub3A_181, %lt3A_182 : i32
      %convert_element_type3A_184 = arith.extui %lt3A_183 : i1 to i32
      %cond3A_185 = arith.constant 0 : i32
      %cond3A_186 = arith.cmpi ne, %convert_element_type3A_184, %cond3A_185 : i32
      scf.if %cond3A_186 {
        %add3A_321 = arith.constant 4 : i32
        %add3A_322 = arith.addi %add3A_177, %add3A_321 : i32
        %sub3A_323 = arith.constant 1 : i32
        %sub3A_324 = arith.subi %add3A_322, %sub3A_323 : i32
        %mul3A_325 = arith.constant 16 : i32
        %mul3A_326 = arith.muli %sub3A_324, %mul3A_325 : i32
        %get3A_327 = arith.index_cast %mul3A_326 : i32 to index
        %get3A_328 = tpu.vector_load %arg9[%get3A_327] {strides = array<i32>} : memref<1024xi32, #tpu.memory_space<vmem>>, vector<16xi32>,
        %get3A_329 = vector.shape_cast %get3A_328 : vector<16xi32> to vector<16xi32>
        %add3A_330 = arith.addi %get3A_329, %get3A_62 : vector<16xi32>
        %mul3A_331 = arith.constant 16 : i32
        %mul3A_332 = arith.muli %sub3A_324, %mul3A_331 : i32
        %get3A_333 = arith.index_cast %mul3A_332 : i32 to index
        %get3A_334 = tpu.vector_load %arg10[%get3A_333] {strides = array<i32>} : memref<1024xi32, #tpu.memory_space<vmem>>, vector<16xi32>,
        %get3A_335 = vector.shape_cast %get3A_334 : vector<16xi32> to vector<16xi32>
        %add3A_336 = arith.addi %get3A_335, %get3A_65 : vector<16xi32>
        %dma_start3A_337 = arith.constant 0 : i32
        %dma_start3A_338 = arith.constant 0 : i32
        %dma_start3A_339 = tpu.memref_slice %arg2[%dma_start3A_337, %dma_start3A_338] : memref<16384x768xf32, #tpu.memory_space<hbm>> -> memref<16384x768xf32, #tpu.memory_space<hbm>>
        tpu.enqueue_indirect_dma source(%dma_start3A_339 : memref<16384x768xf32, #tpu.memory_space<hbm>>) target(%arg14 : memref<16x768xf32, #tpu.memory_space<vmem>>) offsets(%add3A_330 : vector<16xi32>) semaphore(%arg24 : memref<!tpu.dma_semaphore, #tpu.memory_space<semaphore_mem>>)
        %dma_start3A_340 = arith.constant 0 : i32
        %dma_start3A_341 = arith.constant 0 : i32
        %dma_start3A_342 = tpu.memref_slice %arg2[%dma_start3A_340, %dma_start3A_341] : memref<16384x768xf32, #tpu.memory_space<hbm>> -> memref<16384x768xf32, #tpu.memory_space<hbm>>
        tpu.enqueue_indirect_dma source(%dma_start3A_342 : memref<16384x768xf32, #tpu.memory_space<hbm>>) target(%arg18 : memref<16x768xf32, #tpu.memory_space<vmem>>) offsets(%add3A_336 : vector<16xi32>) semaphore(%arg24 : memref<!tpu.dma_semaphore, #tpu.memory_space<semaphore_mem>>)
      } else {
      }
      %mul3A_187 = arith.constant 16 : i32
      %mul3A_188 = arith.muli %add3A_177, %mul3A_187 : i32
      %get3A_189 = arith.index_cast %mul3A_188 : i32 to index
      %get3A_190 = tpu.vector_load %arg9[%get3A_189] {strides = array<i32>} : memref<1024xi32, #tpu.memory_space<vmem>>, vector<16xi32>,
      %get3A_191 = vector.shape_cast %get3A_190 : vector<16xi32> to vector<16xi32>
      %add3A_192 = arith.addi %get3A_191, %get3A_62 : vector<16xi32>
      %mul3A_193 = arith.constant 16 : i32
      %mul3A_194 = arith.muli %add3A_177, %mul3A_193 : i32
      %get3A_195 = arith.index_cast %mul3A_194 : i32 to index
      %get3A_196 = tpu.vector_load %arg10[%get3A_195] {strides = array<i32>} : memref<1024xi32, #tpu.memory_space<vmem>>, vector<16xi32>,
      %get3A_197 = vector.shape_cast %get3A_196 : vector<16xi32> to vector<16xi32>
      %add3A_198 = arith.addi %get3A_197, %get3A_65 : vector<16xi32>
      %dma_wait3A_199 = arith.constant 0 : i32
      %dma_wait3A_200 = arith.constant 0 : i32
      %dma_wait3A_201 = tpu.memref_slice %arg2[%dma_wait3A_199, %dma_wait3A_200] : memref<16384x768xf32, #tpu.memory_space<hbm>> -> memref<16384x768xf32, #tpu.memory_space<hbm>>
      tpu.wait_indirect_dma semaphore(%arg25 : memref<!tpu.dma_semaphore, #tpu.memory_space<semaphore_mem>>) src(%dma_wait3A_201 : memref<16384x768xf32, #tpu.memory_space<hbm>>) dst(%arg15 : memref<16x768xf32, #tpu.memory_space<vmem>>)
      %dma_wait3A_202 = arith.constant 0 : i32
      %dma_wait3A_203 = arith.constant 0 : i32
      %dma_wait3A_204 = tpu.memref_slice %arg2[%dma_wait3A_202, %dma_wait3A_203] : memref<16384x768xf32, #tpu.memory_space<hbm>> -> memref<16384x768xf32, #tpu.memory_space<hbm>>
      tpu.wait_indirect_dma semaphore(%arg25 : memref<!tpu.dma_semaphore, #tpu.memory_space<semaphore_mem>>) src(%dma_wait3A_204 : memref<16384x768xf32, #tpu.memory_space<hbm>>) dst(%arg19 : memref<16x768xf32, #tpu.memory_space<vmem>>)
      %ge3A_205 = arith.constant 2 : i32
      %ge3A_206 = arith.cmpi sge, %add3A_177, %ge3A_205 : i32
      %convert_element_type3A_207 = arith.extui %ge3A_206 : i1 to i32
      %cond3A_208 = arith.constant 0 : i32
      %cond3A_209 = arith.cmpi ne, %convert_element_type3A_207, %cond3A_208 : i32
      scf.if %cond3A_209 {
        %sub3A_321 = arith.constant 2 : i32
        %sub3A_322 = arith.subi %add3A_177, %sub3A_321 : i32
        %mul3A_323 = arith.constant 16 : i32
        %mul3A_324 = arith.muli %sub3A_322, %mul3A_323 : i32
        %add3A_325 = arith.addi %mul3A_2, %mul3A_324 : i32
        %dma_wait3A_326 = arith.constant 0 : i32
        %dma_wait3A_327 = tpu.memref_slice %arg8[%add3A_325, %dma_wait3A_326] : memref<32768x768xf32, #tpu.memory_space<hbm>> -> memref<16x768xf32, #tpu.memory_space<hbm>>
        %dma_wait3A_328 = arith.constant 0 : i32
        %dma_wait3A_329 = tpu.memref_slice %arg8[%add3A_325, %dma_wait3A_328] : memref<32768x768xf32, #tpu.memory_space<hbm>> -> memref<16x768xf32, #tpu.memory_space<hbm>>
        tpu.wait_dma2 semaphore(%arg29 : memref<!tpu.dma_semaphore, #tpu.memory_space<semaphore_mem>>) src(%arg23 : memref<16x768xf32, #tpu.memory_space<vmem>>) dst(%dma_wait3A_329 : memref<16x768xf32, #tpu.memory_space<hbm>>)
      } else {
      }
      %scan3A_210 = arith.constant 0 : i32
      %scan3A_211 = arith.constant 0 : i32
      %scan3A_212 = arith.constant 16 : i32
      %scan3A_213 = arith.addi %scan3A_211, %scan3A_212 : i32
      %scan3A_214 = arith.constant 1 : i32
      scf.for %scan3A_321 = %scan3A_211 to %scan3A_213 step %scan3A_214  : i32 {
        %parallel_loop3A = arith.constant 0 : i32
        %parallel_loop3A_322 = arith.constant 48 : i32
        %parallel_loop3A_323 = arith.constant 1 : i32
        scf.for %parallel_loop3A_324 = %parallel_loop3A to %parallel_loop3A_322 step %parallel_loop3A_323  : i32 {
          %parallel_loop3A_325 = arith.constant 16 : i32
          %parallel_loop3A_326 = arith.muli %parallel_loop3A_324, %parallel_loop3A_325 : i32
          %parallel_loop3A_327 = arith.index_cast %scan3A_321 : i32 to index
          %parallel_loop3A_328 = arith.index_cast %parallel_loop3A_326 : i32 to index
          %parallel_loop3A_329 = tpu.vector_load %arg15[%parallel_loop3A_327, %parallel_loop3A_328] {strides = array<i32>} : memref<16x768xf32, #tpu.memory_space<vmem>>, vector<1x16xf32>,
          %parallel_loop3A_330 = vector.shape_cast %parallel_loop3A_329 : vector<1x16xf32> to vector<16xf32>
          %parallel_loop3A_331 = arith.constant 16 : i32
          %parallel_loop3A_332 = arith.muli %parallel_loop3A_324, %parallel_loop3A_331 : i32
          %parallel_loop3A_333 = arith.index_cast %scan3A_321 : i32 to index
          %parallel_loop3A_334 = arith.index_cast %parallel_loop3A_332 : i32 to index
          %parallel_loop3A_335 = tpu.vector_load %arg19[%parallel_loop3A_333, %parallel_loop3A_334] {strides = array<i32>} : memref<16x768xf32, #tpu.memory_space<vmem>>, vector<1x16xf32>,
          %parallel_loop3A_336 = vector.shape_cast %parallel_loop3A_335 : vector<1x16xf32> to vector<16xf32>
          %parallel_loop3A_337 = arith.subf %parallel_loop3A_336, %parallel_loop3A_330 : vector<16xf32>
          %parallel_loop3A_338 = arith.mulf %get3A_68, %parallel_loop3A_337 : vector<16xf32>
          %parallel_loop3A_339 = arith.addf %parallel_loop3A_330, %parallel_loop3A_338 : vector<16xf32>
          %parallel_loop3A_340 = arith.constant 16 : i32
          %parallel_loop3A_341 = arith.muli %parallel_loop3A_324, %parallel_loop3A_340 : i32
          %parallel_loop3A_342 = arith.index_cast %scan3A_321 : i32 to index
          %parallel_loop3A_343 = arith.index_cast %parallel_loop3A_341 : i32 to index
          %parallel_loop3A_344 = tpu.vector_load %arg23[%parallel_loop3A_342, %parallel_loop3A_343] {strides = array<i32>} : memref<16x768xf32, #tpu.memory_space<vmem>>, vector<1x16xf32>,
          %parallel_loop3A_345 = vector.shape_cast %parallel_loop3A_344 : vector<1x16xf32> to vector<16xf32>
          %parallel_loop3A_346 = vector.shape_cast %parallel_loop3A_339 : vector<16xf32> to vector<1x16xf32>
          tpu.vector_store %arg23[%parallel_loop3A_342, %parallel_loop3A_343], %parallel_loop3A_346 {strides = array<i32>} : memref<16x768xf32, #tpu.memory_space<vmem>>, vector<1x16xf32>,
        } {sc.loop_unroll_factor = 16 : i64, sc.parallel_access}
      }
      %scan3A_215 = arith.constant 16 : i32
      %mul3A_216 = arith.constant 16 : i32
      %mul3A_217 = arith.muli %add3A_177, %mul3A_216 : i32
      %add3A_218 = arith.addi %mul3A_2, %mul3A_217 : i32
      %dma_start3A_219 = arith.constant 0 : i32
      %dma_start3A_220 = tpu.memref_slice %arg8[%add3A_218, %dma_start3A_219] : memref<32768x768xf32, #tpu.memory_space<hbm>> -> memref<16x768xf32, #tpu.memory_space<hbm>>
      %dma_start3A_221 = arith.constant 0 : i32
      %dma_start3A_222 = tpu.memref_slice %arg8[%add3A_218, %dma_start3A_221] : memref<32768x768xf32, #tpu.memory_space<hbm>> -> memref<16x768xf32, #tpu.memory_space<hbm>>
      tpu.enqueue_dma source(%arg23 : memref<16x768xf32, #tpu.memory_space<vmem>>) target(%dma_start3A_222 : memref<16x768xf32, #tpu.memory_space<hbm>>) target_semaphore(%arg29 : memref<!tpu.dma_semaphore, #tpu.memory_space<semaphore_mem>>)
      %mul3A_223 = arith.constant 4 : i32
      %mul3A_224 = arith.muli %scan3A_128, %mul3A_223 : i32
      %add3A_225 = arith.constant 2 : i32
      %add3A_226 = arith.addi %mul3A_224, %add3A_225 : i32
      %add3A_227 = arith.constant 4 : i32
      %add3A_228 = arith.addi %add3A_226, %add3A_227 : i32
      %sub3A_229 = arith.constant 1 : i32
      %sub3A_230 = arith.subi %add3A_228, %sub3A_229 : i32
      %lt3A_231 = arith.constant 64 : i32
      %lt3A_232 = arith.cmpi slt, %sub3A_230, %lt3A_231 : i32
      %convert_element_type3A_233 = arith.extui %lt3A_232 : i1 to i32
      %cond3A_234 = arith.constant 0 : i32
      %cond3A_235 = arith.cmpi ne, %convert_element_type3A_233, %cond3A_234 : i32
      scf.if %cond3A_235 {
        %add3A_321 = arith.constant 4 : i32
        %add3A_322 = arith.addi %add3A_226, %add3A_321 : i32
        %sub3A_323 = arith.constant 1 : i32
        %sub3A_324 = arith.subi %add3A_322, %sub3A_323 : i32
        %mul3A_325 = arith.constant 16 : i32
        %mul3A_326 = arith.muli %sub3A_324, %mul3A_325 : i32
        %get3A_327 = arith.index_cast %mul3A_326 : i32 to index
        %get3A_328 = tpu.vector_load %arg9[%get3A_327] {strides = array<i32>} : memref<1024xi32, #tpu.memory_space<vmem>>, vector<16xi32>,
        %get3A_329 = vector.shape_cast %get3A_328 : vector<16xi32> to vector<16xi32>
        %add3A_330 = arith.addi %get3A_329, %get3A_62 : vector<16xi32>
        %mul3A_331 = arith.constant 16 : i32
        %mul3A_332 = arith.muli %sub3A_324, %mul3A_331 : i32
        %get3A_333 = arith.index_cast %mul3A_332 : i32 to index
        %get3A_334 = tpu.vector_load %arg10[%get3A_333] {strides = array<i32>} : memref<1024xi32, #tpu.memory_space<vmem>>, vector<16xi32>,
        %get3A_335 = vector.shape_cast %get3A_334 : vector<16xi32> to vector<16xi32>
        %add3A_336 = arith.addi %get3A_335, %get3A_65 : vector<16xi32>
        %dma_start3A_337 = arith.constant 0 : i32
        %dma_start3A_338 = arith.constant 0 : i32
        %dma_start3A_339 = tpu.memref_slice %arg2[%dma_start3A_337, %dma_start3A_338] : memref<16384x768xf32, #tpu.memory_space<hbm>> -> memref<16384x768xf32, #tpu.memory_space<hbm>>
        tpu.enqueue_indirect_dma source(%dma_start3A_339 : memref<16384x768xf32, #tpu.memory_space<hbm>>) target(%arg15 : memref<16x768xf32, #tpu.memory_space<vmem>>) offsets(%add3A_330 : vector<16xi32>) semaphore(%arg25 : memref<!tpu.dma_semaphore, #tpu.memory_space<semaphore_mem>>)
        %dma_start3A_340 = arith.constant 0 : i32
        %dma_start3A_341 = arith.constant 0 : i32
        %dma_start3A_342 = tpu.memref_slice %arg2[%dma_start3A_340, %dma_start3A_341] : memref<16384x768xf32, #tpu.memory_space<hbm>> -> memref<16384x768xf32, #tpu.memory_space<hbm>>
        tpu.enqueue_indirect_dma source(%dma_start3A_342 : memref<16384x768xf32, #tpu.memory_space<hbm>>) target(%arg19 : memref<16x768xf32, #tpu.memory_space<vmem>>) offsets(%add3A_336 : vector<16xi32>) semaphore(%arg25 : memref<!tpu.dma_semaphore, #tpu.memory_space<semaphore_mem>>)
      } else {
      }
      %mul3A_236 = arith.constant 16 : i32
      %mul3A_237 = arith.muli %add3A_226, %mul3A_236 : i32
      %get3A_238 = arith.index_cast %mul3A_237 : i32 to index
      %get3A_239 = tpu.vector_load %arg9[%get3A_238] {strides = array<i32>} : memref<1024xi32, #tpu.memory_space<vmem>>, vector<16xi32>,
      %get3A_240 = vector.shape_cast %get3A_239 : vector<16xi32> to vector<16xi32>
      %add3A_241 = arith.addi %get3A_240, %get3A_62 : vector<16xi32>
      %mul3A_242 = arith.constant 16 : i32
      %mul3A_243 = arith.muli %add3A_226, %mul3A_242 : i32
      %get3A_244 = arith.index_cast %mul3A_243 : i32 to index
      %get3A_245 = tpu.vector_load %arg10[%get3A_244] {strides = array<i32>} : memref<1024xi32, #tpu.memory_space<vmem>>, vector<16xi32>,
      %get3A_246 = vector.shape_cast %get3A_245 : vector<16xi32> to vector<16xi32>
      %add3A_247 = arith.addi %get3A_246, %get3A_65 : vector<16xi32>
      %dma_wait3A_248 = arith.constant 0 : i32
      %dma_wait3A_249 = arith.constant 0 : i32
      %dma_wait3A_250 = tpu.memref_slice %arg2[%dma_wait3A_248, %dma_wait3A_249] : memref<16384x768xf32, #tpu.memory_space<hbm>> -> memref<16384x768xf32, #tpu.memory_space<hbm>>
      tpu.wait_indirect_dma semaphore(%arg26 : memref<!tpu.dma_semaphore, #tpu.memory_space<semaphore_mem>>) src(%dma_wait3A_250 : memref<16384x768xf32, #tpu.memory_space<hbm>>) dst(%arg16 : memref<16x768xf32, #tpu.memory_space<vmem>>)
      %dma_wait3A_251 = arith.constant 0 : i32
      %dma_wait3A_252 = arith.constant 0 : i32
      %dma_wait3A_253 = tpu.memref_slice %arg2[%dma_wait3A_251, %dma_wait3A_252] : memref<16384x768xf32, #tpu.memory_space<hbm>> -> memref<16384x768xf32, #tpu.memory_space<hbm>>
      tpu.wait_indirect_dma semaphore(%arg26 : memref<!tpu.dma_semaphore, #tpu.memory_space<semaphore_mem>>) src(%dma_wait3A_253 : memref<16384x768xf32, #tpu.memory_space<hbm>>) dst(%arg20 : memref<16x768xf32, #tpu.memory_space<vmem>>)
      %ge3A_254 = arith.constant 2 : i32
      %ge3A_255 = arith.cmpi sge, %add3A_226, %ge3A_254 : i32
      %convert_element_type3A_256 = arith.extui %ge3A_255 : i1 to i32
      %cond3A_257 = arith.constant 0 : i32
      %cond3A_258 = arith.cmpi ne, %convert_element_type3A_256, %cond3A_257 : i32
      scf.if %cond3A_258 {
        %sub3A_321 = arith.constant 2 : i32
        %sub3A_322 = arith.subi %add3A_226, %sub3A_321 : i32
        %mul3A_323 = arith.constant 16 : i32
        %mul3A_324 = arith.muli %sub3A_322, %mul3A_323 : i32
        %add3A_325 = arith.addi %mul3A_2, %mul3A_324 : i32
        %dma_wait3A_326 = arith.constant 0 : i32
        %dma_wait3A_327 = tpu.memref_slice %arg8[%add3A_325, %dma_wait3A_326] : memref<32768x768xf32, #tpu.memory_space<hbm>> -> memref<16x768xf32, #tpu.memory_space<hbm>>
        %dma_wait3A_328 = arith.constant 0 : i32
        %dma_wait3A_329 = tpu.memref_slice %arg8[%add3A_325, %dma_wait3A_328] : memref<32768x768xf32, #tpu.memory_space<hbm>> -> memref<16x768xf32, #tpu.memory_space<hbm>>
        tpu.wait_dma2 semaphore(%arg28 : memref<!tpu.dma_semaphore, #tpu.memory_space<semaphore_mem>>) src(%arg22 : memref<16x768xf32, #tpu.memory_space<vmem>>) dst(%dma_wait3A_329 : memref<16x768xf32, #tpu.memory_space<hbm>>)
      } else {
      }
      %scan3A_259 = arith.constant 0 : i32
      %scan3A_260 = arith.constant 0 : i32
      %scan3A_261 = arith.constant 16 : i32
      %scan3A_262 = arith.addi %scan3A_260, %scan3A_261 : i32
      %scan3A_263 = arith.constant 1 : i32
      scf.for %scan3A_321 = %scan3A_260 to %scan3A_262 step %scan3A_263  : i32 {
        %parallel_loop3A = arith.constant 0 : i32
        %parallel_loop3A_322 = arith.constant 48 : i32
        %parallel_loop3A_323 = arith.constant 1 : i32
        scf.for %parallel_loop3A_324 = %parallel_loop3A to %parallel_loop3A_322 step %parallel_loop3A_323  : i32 {
          %parallel_loop3A_325 = arith.constant 16 : i32
          %parallel_loop3A_326 = arith.muli %parallel_loop3A_324, %parallel_loop3A_325 : i32
          %parallel_loop3A_327 = arith.index_cast %scan3A_321 : i32 to index
          %parallel_loop3A_328 = arith.index_cast %parallel_loop3A_326 : i32 to index
          %parallel_loop3A_329 = tpu.vector_load %arg16[%parallel_loop3A_327, %parallel_loop3A_328] {strides = array<i32>} : memref<16x768xf32, #tpu.memory_space<vmem>>, vector<1x16xf32>,
          %parallel_loop3A_330 = vector.shape_cast %parallel_loop3A_329 : vector<1x16xf32> to vector<16xf32>
          %parallel_loop3A_331 = arith.constant 16 : i32
          %parallel_loop3A_332 = arith.muli %parallel_loop3A_324, %parallel_loop3A_331 : i32
          %parallel_loop3A_333 = arith.index_cast %scan3A_321 : i32 to index
          %parallel_loop3A_334 = arith.index_cast %parallel_loop3A_332 : i32 to index
          %parallel_loop3A_335 = tpu.vector_load %arg20[%parallel_loop3A_333, %parallel_loop3A_334] {strides = array<i32>} : memref<16x768xf32, #tpu.memory_space<vmem>>, vector<1x16xf32>,
          %parallel_loop3A_336 = vector.shape_cast %parallel_loop3A_335 : vector<1x16xf32> to vector<16xf32>
          %parallel_loop3A_337 = arith.subf %parallel_loop3A_336, %parallel_loop3A_330 : vector<16xf32>
          %parallel_loop3A_338 = arith.mulf %get3A_68, %parallel_loop3A_337 : vector<16xf32>
          %parallel_loop3A_339 = arith.addf %parallel_loop3A_330, %parallel_loop3A_338 : vector<16xf32>
          %parallel_loop3A_340 = arith.constant 16 : i32
          %parallel_loop3A_341 = arith.muli %parallel_loop3A_324, %parallel_loop3A_340 : i32
          %parallel_loop3A_342 = arith.index_cast %scan3A_321 : i32 to index
          %parallel_loop3A_343 = arith.index_cast %parallel_loop3A_341 : i32 to index
          %parallel_loop3A_344 = tpu.vector_load %arg22[%parallel_loop3A_342, %parallel_loop3A_343] {strides = array<i32>} : memref<16x768xf32, #tpu.memory_space<vmem>>, vector<1x16xf32>,
          %parallel_loop3A_345 = vector.shape_cast %parallel_loop3A_344 : vector<1x16xf32> to vector<16xf32>
          %parallel_loop3A_346 = vector.shape_cast %parallel_loop3A_339 : vector<16xf32> to vector<1x16xf32>
          tpu.vector_store %arg22[%parallel_loop3A_342, %parallel_loop3A_343], %parallel_loop3A_346 {strides = array<i32>} : memref<16x768xf32, #tpu.memory_space<vmem>>, vector<1x16xf32>,
        } {sc.loop_unroll_factor = 16 : i64, sc.parallel_access}
      }
      %scan3A_264 = arith.constant 16 : i32
      %mul3A_265 = arith.constant 16 : i32
      %mul3A_266 = arith.muli %add3A_226, %mul3A_265 : i32
      %add3A_267 = arith.addi %mul3A_2, %mul3A_266 : i32
      %dma_start3A_268 = arith.constant 0 : i32
      %dma_start3A_269 = tpu.memref_slice %arg8[%add3A_267, %dma_start3A_268] : memref<32768x768xf32, #tpu.memory_space<hbm>> -> memref<16x768xf32, #tpu.memory_space<hbm>>
      %dma_start3A_270 = arith.constant 0 : i32
      %dma_start3A_271 = tpu.memref_slice %arg8[%add3A_267, %dma_start3A_270] : memref<32768x768xf32, #tpu.memory_space<hbm>> -> memref<16x768xf32, #tpu.memory_space<hbm>>
      tpu.enqueue_dma source(%arg22 : memref<16x768xf32, #tpu.memory_space<vmem>>) target(%dma_start3A_271 : memref<16x768xf32, #tpu.memory_space<hbm>>) target_semaphore(%arg28 : memref<!tpu.dma_semaphore, #tpu.memory_space<semaphore_mem>>)
      %mul3A_272 = arith.constant 4 : i32
      %mul3A_273 = arith.muli %scan3A_128, %mul3A_272 : i32
      %add3A_274 = arith.constant 3 : i32
      %add3A_275 = arith.addi %mul3A_273, %add3A_274 : i32
      %add3A_276 = arith.constant 4 : i32
      %add3A_277 = arith.addi %add3A_275, %add3A_276 : i32
      %sub3A_278 = arith.constant 1 : i32
      %sub3A_279 = arith.subi %add3A_277, %sub3A_278 : i32
      %lt3A_280 = arith.constant 64 : i32
      %lt3A_281 = arith.cmpi slt, %sub3A_279, %lt3A_280 : i32
      %convert_element_type3A_282 = arith.extui %lt3A_281 : i1 to i32
      %cond3A_283 = arith.constant 0 : i32
      %cond3A_284 = arith.cmpi ne, %convert_element_type3A_282, %cond3A_283 : i32
      scf.if %cond3A_284 {
        %add3A_321 = arith.constant 4 : i32
        %add3A_322 = arith.addi %add3A_275, %add3A_321 : i32
        %sub3A_323 = arith.constant 1 : i32
        %sub3A_324 = arith.subi %add3A_322, %sub3A_323 : i32
        %mul3A_325 = arith.constant 16 : i32
        %mul3A_326 = arith.muli %sub3A_324, %mul3A_325 : i32
        %get3A_327 = arith.index_cast %mul3A_326 : i32 to index
        %get3A_328 = tpu.vector_load %arg9[%get3A_327] {strides = array<i32>} : memref<1024xi32, #tpu.memory_space<vmem>>, vector<16xi32>,
        %get3A_329 = vector.shape_cast %get3A_328 : vector<16xi32> to vector<16xi32>
        %add3A_330 = arith.addi %get3A_329, %get3A_62 : vector<16xi32>
        %mul3A_331 = arith.constant 16 : i32
        %mul3A_332 = arith.muli %sub3A_324, %mul3A_331 : i32
        %get3A_333 = arith.index_cast %mul3A_332 : i32 to index
        %get3A_334 = tpu.vector_load %arg10[%get3A_333] {strides = array<i32>} : memref<1024xi32, #tpu.memory_space<vmem>>, vector<16xi32>,
        %get3A_335 = vector.shape_cast %get3A_334 : vector<16xi32> to vector<16xi32>
        %add3A_336 = arith.addi %get3A_335, %get3A_65 : vector<16xi32>
        %dma_start3A_337 = arith.constant 0 : i32
        %dma_start3A_338 = arith.constant 0 : i32
        %dma_start3A_339 = tpu.memref_slice %arg2[%dma_start3A_337, %dma_start3A_338] : memref<16384x768xf32, #tpu.memory_space<hbm>> -> memref<16384x768xf32, #tpu.memory_space<hbm>>
        tpu.enqueue_indirect_dma source(%dma_start3A_339 : memref<16384x768xf32, #tpu.memory_space<hbm>>) target(%arg16 : memref<16x768xf32, #tpu.memory_space<vmem>>) offsets(%add3A_330 : vector<16xi32>) semaphore(%arg26 : memref<!tpu.dma_semaphore, #tpu.memory_space<semaphore_mem>>)
        %dma_start3A_340 = arith.constant 0 : i32
        %dma_start3A_341 = arith.constant 0 : i32
        %dma_start3A_342 = tpu.memref_slice %arg2[%dma_start3A_340, %dma_start3A_341] : memref<16384x768xf32, #tpu.memory_space<hbm>> -> memref<16384x768xf32, #tpu.memory_space<hbm>>
        tpu.enqueue_indirect_dma source(%dma_start3A_342 : memref<16384x768xf32, #tpu.memory_space<hbm>>) target(%arg20 : memref<16x768xf32, #tpu.memory_space<vmem>>) offsets(%add3A_336 : vector<16xi32>) semaphore(%arg26 : memref<!tpu.dma_semaphore, #tpu.memory_space<semaphore_mem>>)
      } else {
      }
      %mul3A_285 = arith.constant 16 : i32
      %mul3A_286 = arith.muli %add3A_275, %mul3A_285 : i32
      %get3A_287 = arith.index_cast %mul3A_286 : i32 to index
      %get3A_288 = tpu.vector_load %arg9[%get3A_287] {strides = array<i32>} : memref<1024xi32, #tpu.memory_space<vmem>>, vector<16xi32>,
      %get3A_289 = vector.shape_cast %get3A_288 : vector<16xi32> to vector<16xi32>
      %add3A_290 = arith.addi %get3A_289, %get3A_62 : vector<16xi32>
      %mul3A_291 = arith.constant 16 : i32
      %mul3A_292 = arith.muli %add3A_275, %mul3A_291 : i32
      %get3A_293 = arith.index_cast %mul3A_292 : i32 to index
      %get3A_294 = tpu.vector_load %arg10[%get3A_293] {strides = array<i32>} : memref<1024xi32, #tpu.memory_space<vmem>>, vector<16xi32>,
      %get3A_295 = vector.shape_cast %get3A_294 : vector<16xi32> to vector<16xi32>
      %add3A_296 = arith.addi %get3A_295, %get3A_65 : vector<16xi32>
      %dma_wait3A_297 = arith.constant 0 : i32
      %dma_wait3A_298 = arith.constant 0 : i32
      %dma_wait3A_299 = tpu.memref_slice %arg2[%dma_wait3A_297, %dma_wait3A_298] : memref<16384x768xf32, #tpu.memory_space<hbm>> -> memref<16384x768xf32, #tpu.memory_space<hbm>>
      tpu.wait_indirect_dma semaphore(%arg27 : memref<!tpu.dma_semaphore, #tpu.memory_space<semaphore_mem>>) src(%dma_wait3A_299 : memref<16384x768xf32, #tpu.memory_space<hbm>>) dst(%arg17 : memref<16x768xf32, #tpu.memory_space<vmem>>)
      %dma_wait3A_300 = arith.constant 0 : i32
      %dma_wait3A_301 = arith.constant 0 : i32
      %dma_wait3A_302 = tpu.memref_slice %arg2[%dma_wait3A_300, %dma_wait3A_301] : memref<16384x768xf32, #tpu.memory_space<hbm>> -> memref<16384x768xf32, #tpu.memory_space<hbm>>
      tpu.wait_indirect_dma semaphore(%arg27 : memref<!tpu.dma_semaphore, #tpu.memory_space<semaphore_mem>>) src(%dma_wait3A_302 : memref<16384x768xf32, #tpu.memory_space<hbm>>) dst(%arg21 : memref<16x768xf32, #tpu.memory_space<vmem>>)
      %ge3A_303 = arith.constant 2 : i32
      %ge3A_304 = arith.cmpi sge, %add3A_275, %ge3A_303 : i32
      %convert_element_type3A_305 = arith.extui %ge3A_304 : i1 to i32
      %cond3A_306 = arith.constant 0 : i32
      %cond3A_307 = arith.cmpi ne, %convert_element_type3A_305, %cond3A_306 : i32
      scf.if %cond3A_307 {
        %sub3A_321 = arith.constant 2 : i32
        %sub3A_322 = arith.subi %add3A_275, %sub3A_321 : i32
        %mul3A_323 = arith.constant 16 : i32
        %mul3A_324 = arith.muli %sub3A_322, %mul3A_323 : i32
        %add3A_325 = arith.addi %mul3A_2, %mul3A_324 : i32
        %dma_wait3A_326 = arith.constant 0 : i32
        %dma_wait3A_327 = tpu.memref_slice %arg8[%add3A_325, %dma_wait3A_326] : memref<32768x768xf32, #tpu.memory_space<hbm>> -> memref<16x768xf32, #tpu.memory_space<hbm>>
        %dma_wait3A_328 = arith.constant 0 : i32
        %dma_wait3A_329 = tpu.memref_slice %arg8[%add3A_325, %dma_wait3A_328] : memref<32768x768xf32, #tpu.memory_space<hbm>> -> memref<16x768xf32, #tpu.memory_space<hbm>>
        tpu.wait_dma2 semaphore(%arg29 : memref<!tpu.dma_semaphore, #tpu.memory_space<semaphore_mem>>) src(%arg23 : memref<16x768xf32, #tpu.memory_space<vmem>>) dst(%dma_wait3A_329 : memref<16x768xf32, #tpu.memory_space<hbm>>)
      } else {
      }
      %scan3A_308 = arith.constant 0 : i32
      %scan3A_309 = arith.constant 0 : i32
      %scan3A_310 = arith.constant 16 : i32
      %scan3A_311 = arith.addi %scan3A_309, %scan3A_310 : i32
      %scan3A_312 = arith.constant 1 : i32
      scf.for %scan3A_321 = %scan3A_309 to %scan3A_311 step %scan3A_312  : i32 {
        %parallel_loop3A = arith.constant 0 : i32
        %parallel_loop3A_322 = arith.constant 48 : i32
        %parallel_loop3A_323 = arith.constant 1 : i32
        scf.for %parallel_loop3A_324 = %parallel_loop3A to %parallel_loop3A_322 step %parallel_loop3A_323  : i32 {
          %parallel_loop3A_325 = arith.constant 16 : i32
          %parallel_loop3A_326 = arith.muli %parallel_loop3A_324, %parallel_loop3A_325 : i32
          %parallel_loop3A_327 = arith.index_cast %scan3A_321 : i32 to index
          %parallel_loop3A_328 = arith.index_cast %parallel_loop3A_326 : i32 to index
          %parallel_loop3A_329 = tpu.vector_load %arg17[%parallel_loop3A_327, %parallel_loop3A_328] {strides = array<i32>} : memref<16x768xf32, #tpu.memory_space<vmem>>, vector<1x16xf32>,
          %parallel_loop3A_330 = vector.shape_cast %parallel_loop3A_329 : vector<1x16xf32> to vector<16xf32>
          %parallel_loop3A_331 = arith.constant 16 : i32
          %parallel_loop3A_332 = arith.muli %parallel_loop3A_324, %parallel_loop3A_331 : i32
          %parallel_loop3A_333 = arith.index_cast %scan3A_321 : i32 to index
          %parallel_loop3A_334 = arith.index_cast %parallel_loop3A_332 : i32 to index
          %parallel_loop3A_335 = tpu.vector_load %arg21[%parallel_loop3A_333, %parallel_loop3A_334] {strides = array<i32>} : memref<16x768xf32, #tpu.memory_space<vmem>>, vector<1x16xf32>,
          %parallel_loop3A_336 = vector.shape_cast %parallel_loop3A_335 : vector<1x16xf32> to vector<16xf32>
          %parallel_loop3A_337 = arith.subf %parallel_loop3A_336, %parallel_loop3A_330 : vector<16xf32>
          %parallel_loop3A_338 = arith.mulf %get3A_68, %parallel_loop3A_337 : vector<16xf32>
          %parallel_loop3A_339 = arith.addf %parallel_loop3A_330, %parallel_loop3A_338 : vector<16xf32>
          %parallel_loop3A_340 = arith.constant 16 : i32
          %parallel_loop3A_341 = arith.muli %parallel_loop3A_324, %parallel_loop3A_340 : i32
          %parallel_loop3A_342 = arith.index_cast %scan3A_321 : i32 to index
          %parallel_loop3A_343 = arith.index_cast %parallel_loop3A_341 : i32 to index
          %parallel_loop3A_344 = tpu.vector_load %arg23[%parallel_loop3A_342, %parallel_loop3A_343] {strides = array<i32>} : memref<16x768xf32, #tpu.memory_space<vmem>>, vector<1x16xf32>,
          %parallel_loop3A_345 = vector.shape_cast %parallel_loop3A_344 : vector<1x16xf32> to vector<16xf32>
          %parallel_loop3A_346 = vector.shape_cast %parallel_loop3A_339 : vector<16xf32> to vector<1x16xf32>
          tpu.vector_store %arg23[%parallel_loop3A_342, %parallel_loop3A_343], %parallel_loop3A_346 {strides = array<i32>} : memref<16x768xf32, #tpu.memory_space<vmem>>, vector<1x16xf32>,
        } {sc.loop_unroll_factor = 16 : i64, sc.parallel_access}
      }
      %scan3A_313 = arith.constant 16 : i32
      %mul3A_314 = arith.constant 16 : i32
      %mul3A_315 = arith.muli %add3A_275, %mul3A_314 : i32
      %add3A_316 = arith.addi %mul3A_2, %mul3A_315 : i32
      %dma_start3A_317 = arith.constant 0 : i32
      %dma_start3A_318 = tpu.memref_slice %arg8[%add3A_316, %dma_start3A_317] : memref<32768x768xf32, #tpu.memory_space<hbm>> -> memref<16x768xf32, #tpu.memory_space<hbm>>
      %dma_start3A_319 = arith.constant 0 : i32
      %dma_start3A_320 = tpu.memref_slice %arg8[%add3A_316, %dma_start3A_319] : memref<32768x768xf32, #tpu.memory_space<hbm>> -> memref<16x768xf32, #tpu.memory_space<hbm>>
      tpu.enqueue_dma source(%arg23 : memref<16x768xf32, #tpu.memory_space<vmem>>) target(%dma_start3A_320 : memref<16x768xf32, #tpu.memory_space<hbm>>) target_semaphore(%arg29 : memref<!tpu.dma_semaphore, #tpu.memory_space<semaphore_mem>>)
    }
    %scan3A_115 = arith.constant 16 : i32
    %add3A_116 = arith.constant 992 : i32
    %add3A_117 = arith.addi %mul3A_2, %add3A_116 : i32
    %dma_wait3A_118 = arith.constant 0 : i32
    %dma_wait3A_119 = tpu.memref_slice %arg8[%add3A_117, %dma_wait3A_118] : memref<32768x768xf32, #tpu.memory_space<hbm>> -> memref<16x768xf32, #tpu.memory_space<hbm>>
    %dma_wait3A_120 = arith.constant 0 : i32
    %dma_wait3A_121 = tpu.memref_slice %arg8[%add3A_117, %dma_wait3A_120] : memref<32768x768xf32, #tpu.memory_space<hbm>> -> memref<16x768xf32, #tpu.memory_space<hbm>>
    tpu.wait_dma2 semaphore(%arg28 : memref<!tpu.dma_semaphore, #tpu.memory_space<semaphore_mem>>) src(%arg22 : memref<16x768xf32, #tpu.memory_space<vmem>>) dst(%dma_wait3A_121 : memref<16x768xf32, #tpu.memory_space<hbm>>)
    %add3A_122 = arith.constant 1008 : i32
    %add3A_123 = arith.addi %mul3A_2, %add3A_122 : i32
    %dma_wait3A_124 = arith.constant 0 : i32
    %dma_wait3A_125 = tpu.memref_slice %arg8[%add3A_123, %dma_wait3A_124] : memref<32768x768xf32, #tpu.memory_space<hbm>> -> memref<16x768xf32, #tpu.memory_space<hbm>>
    %dma_wait3A_126 = arith.constant 0 : i32
    %dma_wait3A_127 = tpu.memref_slice %arg8[%add3A_123, %dma_wait3A_126] : memref<32768x768xf32, #tpu.memory_space<hbm>> -> memref<16x768xf32, #tpu.memory_space<hbm>>
    tpu.wait_dma2 semaphore(%arg29 : memref<!tpu.dma_semaphore, #tpu.memory_space<semaphore_mem>>) src(%arg23 : memref<16x768xf32, #tpu.memory_space<vmem>>) dst(%dma_wait3A_127 : memref<16x768xf32, #tpu.memory_space<hbm>>)
    return
  }
}

</mosaic_0001>

<sc_bundles>
// kernel: kernel.3.cloned.1.call-start
scs
__scs_entry_jumppad:
0x0: {  	(pc) =	sbr.rel $0x88, $3  }
0x1: {  	(tag) =	ssettag $0x0;
	lr =	simm.s32 $0x1  }
0x2: {  	[smem:$0x3F9B] =	sst lr;
	_ =	strace $0xD0000000  }
0x3: {  	_ = 	snop  }
0x4: {  	_ = 	snop  }
0x5: {  	_ = 	snop  }
0x6: {  	_ = 	snop  }
0x7: {  	_ = 	snop  }
__scs_overlays_trampoline_lowered:
0x8: {  	[smem:$0x3FAA] =	sst s0  }
0x9: {  	[smem:$0x3FAB] =	sst s1  }
0xa: {  	[smem:$0x3FAC] =	sst s2  }
0xb: {  	[smem:$0x3FAD] =	sst s3  }
0xc: {  	[smem:$0x3FAE] =	sst s4  }
0xd: {  	[smem:$0x3FAF] =	sst s5  }
0xe: {  	[smem:$0x3FB0] =	sst s6  }
0xf: {  	[smem:$0x3FB1] =	sst s7  }
0x10: {  	[smem:$0x3FB2] =	sst s8  }
0x11: {  	[smem:$0x3FB3] =	sst s9;
	s0 =	simm.s32 @!p0 $0x0  }
0x12: {  	s1 =	sld [smem:$0x3F99];
	s0 =	simm.s32 @p0 $0x1  }
0x13: {  	[smem:$0x3FB4] =	sst s0;
	s0 =	simm.s32 @!p1 $0x0  }
0x14: {  	s2 =	sld [smem:$0x3F98];
	s0 =	simm.s32 @p1 $0x1  }
0x15: {  	[smem:$0x3FB5] =	sst s0;
	s0 =	simm.s32 @!p2 $0x0  }
0x16: {  	s3 =	sld [smem:$0x3FDB];
	s0 =	simm.s32 @p2 $0x1  }
0x17: {  	s4 =	simm.s32 $0x1BF5;
	[smem:$0x3FB7] =	sst s0  }
0x18: {  	s0 =	sld [smem:$0x3F9A];
	_ =	swait.ge [sflag:s4], $0x0  }
0x19: {  	s7 =	sld [smem:$0x3F9B]  }
0x1a: {  	s8 =	sadd.s32 $0xFFFFE003, lr  }
0x1b: {  	s9 =	sadd.s32 $0xFFFFFEF7, lr;
	s5 =	simm.s32 $0xFFFFFFFF;
	p2 =	slt.u32 s8, $0xFFFFF086  }
0x1c: {  	p1 =	slt.u32 s9, $0xF7A;
	s5 =	simm.s32 @!p2 $0x0  }
0x1d: {  	s5 =	simm.s32 @p1 $0x1;
	p0 =	seq.s32 s7, s2  }
0x1e: {  	s7 =	smul.u32 @!p0 $0xF7A, s2;
	p2 =	seq.s32 @!p0 s5, $0x0  }
0x1f: {  	s9 =	smul.u32 $0xF7A, s1;
	s8 =	simm.s32 @!p0 $0x1BF5;
	p2 =	por !p2, p0  }
0x20: {  	[sflag:s8] =	ssyncset.s32 @!p0 $0xFFFFF086;
	s6 =	sadd.s32 @!p0 s3, s7;
	s7 =	simm.s32 @!p0 $0x108  }
0x21: {  	s3 =	sadd.s32 s3, s9;
	s6 =	sadd.s32 @!p0 $0x88, s6;
	s7 =	simm.s32 @p2 $0x1082  }
0x22: {  	[simem:s7], [sflag:s8] =	dma.local @!p0 [hbm:s6], $0xF7A  }
0x23: {  	s9 =	sor.u32 $0xD0000000, s2;
	s6 =	simm.s32 $0x108;
	_ =	swait.ge @!p0 [sflag:s8], $0x0  }
0x24: {  	s3 =	sadd.s32 $0x88, s3;
	s6 =	simm.s32 @!p1 $0x1082;
	[sflag:s4] =	ssyncset.s32 $0xFFFFF086  }
0x25: {  	[simem:s6], [sflag:s4] =	dma.local [hbm:s3], $0xF7A  }
0x26: {  	[smem:$0x3F9B] =	sst s1;
	(tag) =	ssettag s2;
	_ =	strace s9  }
0x27: {  	s1 =	sld [smem:$0x3FAB]  }
0x28: {  	s2 =	sld [smem:$0x3FAC]  }
0x29: {  	s4 =	sld [smem:$0x3FAE]  }
0x2a: {  	p0 =	seq.s32 s5, $0x0;
	s5 =	sld [smem:$0x3FAF]  }
0x2b: {  	s6 =	sld [smem:$0x3FB0]  }
0x2c: {  	s7 =	sld [smem:$0x3FB1]  }
0x2d: {  	s3 =	simm.s32 $0x108;
	s8 =	sld [smem:$0x3FB2]  }
0x2e: {  	s3 =	simm.s32 @!p0 $0x1082;
	s9 =	sld [smem:$0x3FB3]  }
0x2f: {  	lr =	sadd.s32 s0, s3;
	s0 =	sld [smem:$0x3FAA]  }
0x30: {  	s3 =	sld [smem:$0x3FAD]  }
0x31: {  	[smem:$0x3FB6] =	sst s10  }
0x32: {  	s10 =	sld [smem:$0x3FB4];
	_ =	sdelay $0x3  }
0x33: {  	p0 =	seq.s32 s10, $0x1;
	s10 =	sld [smem:$0x3FB6];
	_ =	sdelay $0x3  }
0x34: {  	[smem:$0x3FB6] =	sst s10  }
0x35: {  	s10 =	sld [smem:$0x3FB5];
	_ =	sdelay $0x3  }
0x36: {  	p1 =	seq.s32 s10, $0x1;
	s10 =	sld [smem:$0x3FB6];
	_ =	sdelay $0x3  }
0x37: {  	[smem:$0x3FB6] =	sst s10  }
0x38: {  	s10 =	sld [smem:$0x3FB7]  }
0x39: {  	_ = 	snop;
	(pc) =	sbr.ind lr, $3  }
0x3a: {  	_ = 	snop  }
0x3b: {  	_ = 	snop  }
0x3c: {  	p2 =	seq.s32 s10, $0x1;
	s10 =	sld [smem:$0x3FB6]  }
0x3d: {  	_ =	shalt  }
0x3e: {  	_ =	shalt  }
0x3f: {  	_ =	shalt  }
0x40: {  	_ =	shalt  }
0x41: {  	_ =	shalt  }
0x42: {  	_ =	shalt  }
0x43: {  	_ =	shalt  }
0x44: {  	_ =	shalt  }
0x45: {  	_ =	shalt  }
0x46: {  	_ =	shalt  }
0x47: {  	_ =	shalt  }
0x48: {  	_ =	shalt  }
0x49: {  	_ =	shalt  }
0x4a: {  	_ =	shalt  }
0x4b: {  	_ =	shalt  }
0x4c: {  	_ =	shalt  }
0x4d: {  	_ =	shalt  }
0x4e: {  	_ =	shalt  }
0x4f: {  	_ =	shalt  }
0x50: {  	_ =	shalt  }
0x51: {  	_ =	shalt  }
0x52: {  	_ =	shalt  }
0x53: {  	_ =	shalt  }
0x54: {  	_ =	shalt  }
0x55: {  	_ =	shalt  }
0x56: {  	_ =	shalt  }
0x57: {  	_ =	shalt  }
0x58: {  	_ =	shalt  }
0x59: {  	_ =	shalt  }
0x5a: {  	_ =	shalt  }
0x5b: {  	_ =	shalt  }
0x5c: {  	_ =	shalt  }
0x5d: {  	_ =	shalt  }
0x5e: {  	_ =	shalt  }
0x5f: {  	_ =	shalt  }
0x60: {  	_ =	shalt  }
0x61: {  	_ =	shalt  }
0x62: {  	_ =	shalt  }
0x63: {  	_ =	shalt  }
0x64: {  	_ =	shalt  }
0x65: {  	_ =	shalt  }
0x66: {  	_ =	shalt  }
0x67: {  	_ =	shalt  }
0x68: {  	_ =	shalt  }
0x69: {  	_ =	shalt  }
0x6a: {  	_ =	shalt  }
0x6b: {  	_ =	shalt  }
0x6c: {  	_ =	shalt  }
0x6d: {  	_ =	shalt  }
0x6e: {  	_ =	shalt  }
0x6f: {  	_ =	shalt  }
0x70: {  	_ =	shalt  }
0x71: {  	_ =	shalt  }
0x72: {  	_ =	shalt  }
0x73: {  	_ =	shalt  }
0x74: {  	_ =	shalt  }
0x75: {  	_ =	shalt  }
0x76: {  	_ =	shalt  }
0x77: {  	_ =	shalt  }
0x78: {  	_ =	shalt  }
0x79: {  	_ =	shalt  }
0x7a: {  	_ =	shalt  }
0x7b: {  	_ =	shalt  }
0x7c: {  	_ =	shalt  }
0x7d: {  	_ =	shalt  }
0x7e: {  	_ =	shalt  }
0x7f: {  	_ =	shalt  }
0x80: {  	_ =	shalt  }
0x81: {  	_ =	shalt  }
0x82: {  	_ =	shalt  }
0x83: {  	_ =	shalt  }
0x84: {  	_ =	shalt  }
0x85: {  	_ =	shalt  }
0x86: {  	_ =	shalt  }
0x87: {  	_ =	shalt  }
.Lfunc_end0:
.L_simem_size_0:
called_computation_lowered:
.L_overlay_start_0:
0x88: {  	s2 =	sld [smem:$0x3FD9]  }
0x89: {  	s3 =	sld [smem:$0x3FFE];
	_ =	sdelay $0x1  }
0x8a: {  	s1 =	srdreg.scid  }
0x8b: {  	s0 =	sand.u32 $0x1, s1  }
0x8c: {  	s17 =	sshll.u32 s0, $0xA;
	s2 =	sadd.s32 s3, s2  }
0x8d: {  	s2 =	sadd.s32 s2, s17  }
0x8e: {  	[smem:$0x3FC2] =	sst s2  }
0x8f: {  	_ = 	snop  }
0x90: {  	s2 =	sld [smem:$0x3FC9]  }
0x91: {  	s18 =	sld [smem:$0x3FD0];
	(tm) =	ssettm $0x1  }
0x92: {  	s4 =	sld [smem:$0x3FFB];
	_ =	sdelay $0x3  }
0x93: {  	_ =	strace s4  }
0x94: {  	s4 =	sld [smem:$0x3FFC];
	_ =	sdelay $0x3  }
0x95: {  	_ =	strace s4  }
0x96: {  	s4 =	sld [smem:$0x3FFD];
	_ =	sdelay $0x3  }
0x97: {  	_ =	strace s4  }
0x98: {  	_ =	strace $0x8FFFFFFF  }
0x99: {  	s19 =	sld [smem:$0x3FDB];
	_ =	sdelay $0x1  }
0x9a: {  	s5 =	simm.s32 $_scs_section_size  }
0x9b: {  	s6 =	simm.s32 $_size__tile_overlayer_lowered;
	s7 =	simm.s32 $_tile_overlayer_lowered  }
0x9c: {  	s22 =	simm.s32 $0x1BFF;
	s21 =	sshll.u32 s7, $0x1;
	s4 =	sadd.s32 s5, s19  }
0x9d: {  	s8 =	simm.s32 $0x0;
	s20 =	sshll.u32 s6, $0x1;
	s6 =	sadd.s32 s21, s4  }
0x9e: {  	[timem:s8], [sflag:s22] =	dma.local [hbm:s6], s20  }
0x9f: {  	_ =	swait.ge [sflag:s22], s20  }
0xa0: {  	s5 =	ssub.s32 $0x0, s20;
	[sflag:s22] =	ssyncset.done $0x0  }
0xa1: {  	[sflag:s22] =	ssyncadd.s32 s5;
	_ =	sdelay $0x1  }
0xa2: {  	s23 =	simm.s32 $0x1B8B  }
0xa3: {  	_ =	swait.ge [sflag:s23], $0x1  }
0xa4: {  	[sflag:s23] =	ssyncset.done $0x0  }
0xa5: {  	s25 =	simm.s32 $0x1B8E;
	s24 =	sld [smem:$0x3FFE];
	[sflag:s23] =	ssyncadd.s32 $0xFFFFFFFF  }
0xa6: {  	s26 =	simm.s32 $execute0_lowered;
	[smem:$0x3FD2] =	sst s25  }
0xa7: {  	s6 =	sshll.u32 s26, $0x1;
	_ =	strace $0x80000046;
	[dreg:$0x1] =	wrdreg $0xFFFFFFFF  }
0xa8: {  	s28 =	simm.s32 $_size_execute0_lowered;
	s4 =	sadd.s32 s4, s6;
	[dreg:$0x0] =	wrdreg $0x0  }
0xa9: {  	s6 =	sshll.u32 s28, $0x1;
	[dreg:$0x2] =	wrdreg s4  }
0xaa: {  	[dreg:$0x3] =	wrdreg s6  }
0xab: {  	[dreg:$0x4] =	wrdreg $0xC0  }
0xac: {  	_ =	task [dreg:s8], $0x5FFFF  }
0xad: {  	[dreg:$0x1] =	wrdreg $0xFFFFFFFF  }
0xae: {  	[dreg:$0x0] =	wrdreg $0x60  }
0xaf: {  	[dreg:$0x2] =	wrdreg s2  }
0xb0: {  	[dreg:$0x3] =	wrdreg s24  }
0xb1: {  	[dreg:$0x4] =	wrdreg s18  }
0xb2: {  	[dreg:$0x5] =	wrdreg $0x9  }
0xb3: {  	_ =	task.clear_ibuf [dreg:s8], $0x6FFFF;
	_ =	strace $0x90000046  }
0xb4: {  	s29 =	simm.s32 $0x9;
	_ =	strace $0x80000048  }
0xb5: {  	_ =	swait.ge [sflag:s29], $0x1  }
0xb6: {  	[sflag:s29] =	ssyncadd.s32 $0xFFFFFFFF  }
0xb7: {  	_ =	strace $0x90000048  }
0xb8: {  	_ =	sfence  }
0xb9: {  	s30 =	sld [smem:$0x0];
	_ =	sdelay $0x2  }
0xba: {  	s31 =	sshll.u32 s1, $0xD;
	s1 =	sshrl.u32 s1, $0x2  }
0xbb: {  	s3 =	sand.u32 $0x4000, s31;
	s1 =	sadd.s32 s1, s30  }
0xbc: {  	s0 =	sor.u32 s3, s0;
	s1 =	sshll.u32 s1, $0x11  }
0xbd: {  	s0 =	sor.u32 s1, s0  }
0xbe: {  	s0 =	sadd.s32 $0x8F2B, s0  }
0xbf: {  	[sflag:s0] =	ssyncadd.remote.s32 $0x1  }
0xc0: {  	_ =	sfence.sel $0xFFFF  }
0xc1: {  	[dreg:$0x0] =	wrdreg $0xFFFFFFFF;
	(pc) =	sbr.abs _section_cstart, $3  }
0xc2: {  	[dreg:$0x1] =	wrdreg $0xFFFFFFFF  }
0xc3: {  	_ =	task.clear_ibuf [dreg:s8], $0x2FFFF;
	_ =	strace $0x9FFFFFFF  }
0xc4: {  	(tm) =	ssettm $0x7FFFFFFF  }
0xc5: {  	_ =	shalt  }
tec
execute0_lowered:
.L_overlay_start_1:
0x0: {  	(tag) =	ssettag $0x1  }
0x1: {  	s1 =	rddreg [dreg:$0x0]  }
0x2: {  	s0 =	srdreg.scid;
	s7 =	rddreg [dreg:$0x1]  }
0x3: {  	s8 =	stileid.u32;
	s4 =	rddreg [dreg:$0x2];
	s5 =	simm.s32 $0x0  }
0x4: {  	s16 =	simm.s32 $0x16980;
	s17 =	simm.s32 $0x17180;
	s18 =	simm.s32 $0x17980  }
0x5: {  	s19 =	simm.s32 $0x18180;
	s21 =	simm.s32 $0x18980;
	s22 =	simm.s32 $0x2  }
0x6: {  	s23 =	simm.s32 $0x1B980;
	s24 =	simm.s32 $0x3;
	s0 =	sand.u32 $0x1, s0  }
0x7: {  	s11 =	simm.s32 $0x0;
	s2 =	sshll.u32 s8, $0xB;
	s3 =	sshll.u32 s0, $0xA  }
0x8: {  	[smem:$0x7FF] =	sst s5;
	s12 =	sadd.s32 $0x100, s1;
	s3 =	sor.u32 s3, s2  }
0x9: {  	s13 =	sadd.s32 $0x200, s1;
	p1 =	seq.s32 s0, $0x1;
	p0 =	seq.s32 s3, $0x0  }
0xa: {  	s15 =	sadd.s32 $0xC00, s4;
	_ =	strace $0x80000047;
	p0 =	por !p0, !p1  }
0xb: {  	s0 =	ssub.s32 $0x2, s0;
	s2 =	simm.s32 $0x1;
	p0 =	por !p0, !p0  }
0xc: {  	s9 =	sshrl.u32 s0, $0x1;
	s6 =	sshrl.u32 s3, $0x3;
	s2 =	simm.s32 @!p0 $0x0  }
0xd: {  	s0 =	ssub.s32 s0, s9;
	s9 =	simm.s32 $0x6;
	s2 =	ssub.s32 s8, s2  }
0xe: {  	s26 =	sadd.s32 s6, s7;
	s0 =	smax.u32 s0, $0x1;
	s2 =	sshll.u32 s2, $0x4  }
0xf: {  	s28 =	sadd.s32 $0x400, s26;
	[dreg:$0x9] =	wrdreg s0;
	s2 =	sand.u32 $0x1FFFFFF0, s2  }
0x10: {  	s29 =	sadd.s32 $0x1400, s26;
	[dreg:$0x4] =	wrdreg s28;
	s2 =	sadd.s32 s2, s7  }
0x11: {  	s6 =	simm.s32 $0x1;
	[dreg:$0x5] =	wrdreg s29;
	s30 =	sadd.s32 $0x2600, s2  }
0x12: {  	v2 =	vlaneseq.u32;
	s0 =	simm.s32 $0x16180;
	s31 =	sadd.s32 $0x2400, s2;
	[dreg:$0x6] =	wrdreg s30  }
0x13: {  	vm0 =	vmmov $0xffff;
	v1 =	vshrl.u32 v2, $0x3;
	s8 =	simm.s32 $0x4;
	s2 =	sadd.s32 $0x2800, s2;
	[dreg:$0x7] =	wrdreg s31  }
0x14: {  	v0 =	vand.u32 $0x7, v2;
	v2 =	vor.u32 $0x8, v2;
	v1 =	vmul.u32 $0x8, v1;
	s7 =	simm.s32 $0x5;
	[dreg:$0x8] =	wrdreg s2;
	s2 =	simm.s32 $0x15980  }
.LBB2_1:
0x15: {  	[dreg:$0xa] =	wrdreg s11  }
0x16: {  	s10 =	rddreg [dreg:$0x4]  }
0x17: {  	[tilespmem:s5], [sflag:$0x7] =	stream.linear.gather [hbm4b:s10+s5], $0x400, $0x38;
	[tilespmem:$0x1E980] =	vst v63  }
0x18: {  	s11 =	rddreg [dreg:$0x5];
	s14 =	simm.s32 $0x400  }
0x19: {  	[tilespmem:s14], [sflag:$0x7] =	stream.linear.gather [hbm4b:s11+s5], $0x400, $0x38;
	[tilespmem:$0x1E980] =	vst v63  }
0x1a: {  	s20 =	rddreg [dreg:$0x6];
	s25 =	simm.s32 $0x800  }
0x1b: {  	[tilespmem:s25], [sflag:$0x7] =	stream.linear.gather [hbm4b:s20+s5], $0x80, $0x38;
	[tilespmem:$0x1E980] =	vst v63  }
0x1c: {  	s26 =	rddreg [dreg:$0x7];
	s28 =	simm.s32 $0x880  }
0x1d: {  	[tilespmem:s28], [sflag:$0x7] =	stream.linear.gather [hbm4b:s26+s5], $0x80, $0x38;
	[tilespmem:$0x1E980] =	vst v63  }
0x1e: {  	s29 =	rddreg [dreg:$0x8];
	s30 =	simm.s32 $0x900;
	s31 =	simm.s32 $0x7  }
0x1f: {  	[tilespmem:s30], [sflag:$0x7] =	stream.linear.gather [hbm4b:s29+s5], $0x80, $0x38;
	[tilespmem:$0x1E980] =	vst v63  }
0x20: {  	_ =	swait.ge [sflag:s31], $0x400  }
0x21: {  	[sflag:s31] =	ssyncset.done $0x0  }
0x22: {  	[sflag:s31] =	ssyncadd.s32 $0xFFFFFC00  }
0x23: {  	_ =	swait.ge [sflag:s31], $0x400  }
0x24: {  	[sflag:s31] =	ssyncset.done $0x0  }
0x25: {  	[sflag:s31] =	ssyncadd.s32 $0xFFFFFC00  }
0x26: {  	_ =	swait.ge [sflag:s31], $0x80  }
0x27: {  	[sflag:s31] =	ssyncset.done $0x0  }
0x28: {  	[sflag:s31] =	ssyncadd.s32 $0xFFFFFF80  }
0x29: {  	_ =	swait.ge [sflag:s31], $0x80  }
0x2a: {  	[sflag:s31] =	ssyncset.done $0x0  }
0x2b: {  	[sflag:s31] =	ssyncadd.s32 $0xFFFFFF80  }
0x2c: {  	_ =	swait.ge [sflag:s31], $0x80  }
0x2d: {  	[sflag:s31] =	ssyncset.done $0x0  }
0x2e: {  	[sflag:s31] =	ssyncadd.s32 $0xFFFFFF80  }
0x2f: {  	v3 =	vld [tilespmem:$0x800]  }
0x30: {  	v4 =	vld [tilespmem:$0x0];
	_ =	sdelay $0x4  }
0x31: {  	v4 =	vadd.s32 v3, v4  }
0x32: {  	v5 =	vshrl.u32 v4, $0x3  }
0x33: {  	v5 =	vmul.u32 $0x30, v5  }
0x34: {  	v4 =	vand.u32 $0x7, v4  }
0x35: {  	v6 =	vor.u32 v4, v5  }
0x36: {  	v5 =	vperm.xlane v6, v0  }
0x37: {  	v7 =	vld [tilespmem:$0x400]  }
0x38: {  	v4 =	vld [tilespmem:$0x880];
	v8 =	vadd.s32 v1, v5;
	_ =	sdelay $0x3  }
0x39: {  	s11 =	simm.s32 $0x980;
	v6 =	vperm.xlane v6, v2  }
0x3a: {  	v5 =	vld [tilespmem:$0x900];
	v7 =	vadd.s32 v4, v7;
	[tilespmem:s11], [sflag:$0x1] =	stream.indirect_vreg.gather [hbm4b:s1+s5], $0x80, v8, vm0, $0xb8  }
0x3b: {  	s14 =	simm.s32 $0x1180;
	v6 =	vadd.s32 v1, v6;
	v9 =	vshrl.u32 v7, $0x3  }
0x3c: {  	v9 =	vmul.u32 $0x30, v9;
	[tilespmem:s14], [sflag:$0x1] =	stream.indirect_vreg.gather [hbm4b:s12+s5], $0x80, v8, vm0, $0xb8;
	[tilespmem:$0x1E980] =	vst v63  }
0x3d: {  	s20 =	simm.s32 $0x1980;
	v7 =	vand.u32 $0x7, v7  }
0x3e: {  	v7 =	vor.u32 v7, v9;
	[tilespmem:s20], [sflag:$0x1] =	stream.indirect_vreg.gather [hbm4b:s13+s5], $0x80, v8, vm0, $0xb8;
	[tilespmem:$0x1E980] =	vst v63  }
0x3f: {  	s25 =	simm.s32 $0x2180;
	v61 =	vperm.xlane v7, v0  }
0x40: {  	[tilespmem:s25], [sflag:$0x1] =	stream.indirect_vreg.gather [hbm4b:s1+s5], $0x80, v6, vm0, $0xb8;
	[tilespmem:$0x1E980] =	vst v63  }
0x41: {  	s26 =	simm.s32 $0x2980;
	v8 =	vadd.s32 v1, v61  }
0x42: {  	[tilespmem:s26], [sflag:$0x1] =	stream.indirect_vreg.gather [hbm4b:s12+s5], $0x80, v6, vm0, $0xb8;
	[tilespmem:$0x1E980] =	vst v63  }
0x43: {  	s28 =	simm.s32 $0x3180  }
0x44: {  	[tilespmem:s28], [sflag:$0x1] =	stream.indirect_vreg.gather [hbm4b:s13+s5], $0x80, v6, vm0, $0xb8;
	[tilespmem:$0x1E980] =	vst v63  }
0x45: {  	s29 =	simm.s32 $0xC980;
	v6 =	vperm.xlane v7, v2  }
0x46: {  	[tilespmem:s29], [sflag:$0x1] =	stream.indirect_vreg.gather [hbm4b:s1+s5], $0x80, v8, vm0, $0xb8;
	[tilespmem:$0x1E980] =	vst v63  }
0x47: {  	s30 =	simm.s32 $0xD180;
	v6 =	vadd.s32 v1, v6  }
0x48: {  	[tilespmem:s30], [sflag:$0x1] =	stream.indirect_vreg.gather [hbm4b:s12+s5], $0x80, v8, vm0, $0xb8;
	[tilespmem:$0x1E980] =	vst v63  }
0x49: {  	s31 =	simm.s32 $0xD980  }
0x4a: {  	[tilespmem:s31], [sflag:$0x1] =	stream.indirect_vreg.gather [hbm4b:s13+s5], $0x80, v8, vm0, $0xb8;
	[tilespmem:$0x1E980] =	vst v63  }
0x4b: {  	s11 =	simm.s32 $0xE180  }
0x4c: {  	[tilespmem:s11], [sflag:$0x1] =	stream.indirect_vreg.gather [hbm4b:s1+s5], $0x80, v6, vm0, $0xb8;
	[tilespmem:$0x1E980] =	vst v63  }
0x4d: {  	s14 =	simm.s32 $0xE980  }
0x4e: {  	[tilespmem:s14], [sflag:$0x1] =	stream.indirect_vreg.gather [hbm4b:s12+s5], $0x80, v6, vm0, $0xb8;
	[tilespmem:$0x1E980] =	vst v63  }
0x4f: {  	s20 =	simm.s32 $0xF180  }
0x50: {  	[tilespmem:s20], [sflag:$0x1] =	stream.indirect_vreg.gather [hbm4b:s13+s5], $0x80, v6, vm0, $0xb8;
	[tilespmem:$0x1E980] =	vst v63  }
0x51: {  	v6 =	vld [tilespmem:$0x10];
	_ =	sdelay $0x4  }
0x52: {  	v6 =	vadd.s32 v3, v6  }
0x53: {  	v7 =	vshrl.u32 v6, $0x3  }
0x54: {  	v7 =	vmul.u32 $0x30, v7  }
0x55: {  	v6 =	vand.u32 $0x7, v6  }
0x56: {  	v6 =	vor.u32 v6, v7  }
0x57: {  	v7 =	vperm.xlane v6, v0;
	_ =	sdelay $0x1  }
0x58: {  	v8 =	vld [tilespmem:$0x410];
	v7 =	vadd.s32 v1, v7;
	_ =	sdelay $0x3  }
0x59: {  	s25 =	simm.s32 $0x3980;
	v6 =	vperm.xlane v6, v2  }
0x5a: {  	v8 =	vadd.s32 v4, v8;
	[tilespmem:s25], [sflag:$0x2] =	stream.indirect_vreg.gather [hbm4b:s1+s5], $0x80, v7, vm0, $0xb8;
	[tilespmem:$0x1E980] =	vst v63  }
0x5b: {  	s26 =	simm.s32 $0x4180;
	v62 =	vshrl.u32 v8, $0x3;
	v6 =	vadd.s32 v1, v6  }
0x5c: {  	v9 =	vmul.u32 $0x30, v62;
	[tilespmem:s26], [sflag:$0x2] =	stream.indirect_vreg.gather [hbm4b:s12+s5], $0x80, v7, vm0, $0xb8;
	[tilespmem:$0x1E980] =	vst v63  }
0x5d: {  	s28 =	simm.s32 $0x4980;
	v8 =	vand.u32 $0x7, v8  }
0x5e: {  	[tilespmem:s28], [sflag:$0x2] =	stream.indirect_vreg.gather [hbm4b:s13+s5], $0x80, v7, vm0, $0xb8;
	v7 =	vor.u32 v8, v9;
	[tilespmem:$0x1E980] =	vst v63  }
0x5f: {  	s29 =	simm.s32 $0x5180;
	v8 =	vperm.xlane v7, v0  }
0x60: {  	[tilespmem:s29], [sflag:$0x2] =	stream.indirect_vreg.gather [hbm4b:s1+s5], $0x80, v6, vm0, $0xb8;
	[tilespmem:$0x1E980] =	vst v63  }
0x61: {  	s30 =	simm.s32 $0x5980;
	v8 =	vadd.s32 v1, v8  }
0x62: {  	[tilespmem:s30], [sflag:$0x2] =	stream.indirect_vreg.gather [hbm4b:s12+s5], $0x80, v6, vm0, $0xb8;
	[tilespmem:$0x1E980] =	vst v63  }
0x63: {  	s31 =	simm.s32 $0x6180  }
0x64: {  	[tilespmem:s31], [sflag:$0x2] =	stream.indirect_vreg.gather [hbm4b:s13+s5], $0x80, v6, vm0, $0xb8;
	[tilespmem:$0x1E980] =	vst v63  }
0x65: {  	s11 =	simm.s32 $0xF980;
	v6 =	vperm.xlane v7, v2  }
0x66: {  	[tilespmem:s11], [sflag:$0x2] =	stream.indirect_vreg.gather [hbm4b:s1+s5], $0x80, v8, vm0, $0xb8;
	[tilespmem:$0x1E980] =	vst v63  }
0x67: {  	s14 =	simm.s32 $0x10180;
	v6 =	vadd.s32 v1, v6  }
0x68: {  	[tilespmem:s14], [sflag:$0x2] =	stream.indirect_vreg.gather [hbm4b:s12+s5], $0x80, v8, vm0, $0xb8;
	[tilespmem:$0x1E980] =	vst v63  }
0x69: {  	s20 =	simm.s32 $0x10980  }
0x6a: {  	[tilespmem:s20], [sflag:$0x2] =	stream.indirect_vreg.gather [hbm4b:s13+s5], $0x80, v8, vm0, $0xb8;
	[tilespmem:$0x1E980] =	vst v63  }
0x6b: {  	s25 =	simm.s32 $0x11180  }
0x6c: {  	[tilespmem:s25], [sflag:$0x2] =	stream.indirect_vreg.gather [hbm4b:s1+s5], $0x80, v6, vm0, $0xb8;
	[tilespmem:$0x1E980] =	vst v63  }
0x6d: {  	s26 =	simm.s32 $0x11980  }
0x6e: {  	[tilespmem:s26], [sflag:$0x2] =	stream.indirect_vreg.gather [hbm4b:s12+s5], $0x80, v6, vm0, $0xb8;
	[tilespmem:$0x1E980] =	vst v63  }
0x6f: {  	s28 =	simm.s32 $0x12180  }
0x70: {  	[tilespmem:s28], [sflag:$0x2] =	stream.indirect_vreg.gather [hbm4b:s13+s5], $0x80, v6, vm0, $0xb8;
	[tilespmem:$0x1E980] =	vst v63  }
0x71: {  	v6 =	vld [tilespmem:$0x20];
	_ =	sdelay $0x4  }
0x72: {  	v6 =	vadd.s32 v3, v6  }
0x73: {  	v7 =	vshrl.u32 v6, $0x3  }
0x74: {  	v7 =	vmul.u32 $0x30, v7  }
0x75: {  	v6 =	vand.u32 $0x7, v6  }
0x76: {  	v6 =	vor.u32 v6, v7  }
0x77: {  	v7 =	vperm.xlane v6, v0;
	_ =	sdelay $0x1  }
0x78: {  	v8 =	vld [tilespmem:$0x420];
	v7 =	vadd.s32 v1, v7;
	_ =	sdelay $0x3  }
0x79: {  	s29 =	simm.s32 $0x6980;
	v6 =	vperm.xlane v6, v2  }
0x7a: {  	v8 =	vadd.s32 v4, v8;
	[tilespmem:s29], [sflag:$0x3] =	stream.indirect_vreg.gather [hbm4b:s1+s5], $0x80, v7, vm0, $0xb8;
	[tilespmem:$0x1E980] =	vst v63  }
0x7b: {  	s30 =	simm.s32 $0x7180;
	v63 =	vshrl.u32 v8, $0x3;
	v6 =	vadd.s32 v1, v6  }
0x7c: {  	v9 =	vmul.u32 $0x30, v63;
	[tilespmem:s30], [sflag:$0x3] =	stream.indirect_vreg.gather [hbm4b:s12+s5], $0x80, v7, vm0, $0xb8;
	[tilespmem:$0x1E980] =	vst v63  }
0x7d: {  	s31 =	simm.s32 $0x7980;
	v8 =	vand.u32 $0x7, v8  }
0x7e: {  	[tilespmem:s31], [sflag:$0x3] =	stream.indirect_vreg.gather [hbm4b:s13+s5], $0x80, v7, vm0, $0xb8;
	v7 =	vor.u32 v8, v9;
	[tilespmem:$0x1E980] =	vst v63  }
0x7f: {  	s11 =	simm.s32 $0x8180;
	v8 =	vperm.xlane v7, v0  }
0x80: {  	[tilespmem:s11], [sflag:$0x3] =	stream.indirect_vreg.gather [hbm4b:s1+s5], $0x80, v6, vm0, $0xb8;
	[tilespmem:$0x1E980] =	vst v63  }
0x81: {  	s14 =	simm.s32 $0x8980;
	v8 =	vadd.s32 v1, v8  }
0x82: {  	[tilespmem:s14], [sflag:$0x3] =	stream.indirect_vreg.gather [hbm4b:s12+s5], $0x80, v6, vm0, $0xb8;
	[tilespmem:$0x1E980] =	vst v63  }
0x83: {  	s20 =	simm.s32 $0x9180  }
0x84: {  	[tilespmem:s20], [sflag:$0x3] =	stream.indirect_vreg.gather [hbm4b:s13+s5], $0x80, v6, vm0, $0xb8;
	[tilespmem:$0x1E980] =	vst v63  }
0x85: {  	s25 =	simm.s32 $0x12980;
	v6 =	vperm.xlane v7, v2  }
0x86: {  	[tilespmem:s25], [sflag:$0x3] =	stream.indirect_vreg.gather [hbm4b:s1+s5], $0x80, v8, vm0, $0xb8;
	[tilespmem:$0x1E980] =	vst v63  }
0x87: {  	s26 =	simm.s32 $0x13180;
	v6 =	vadd.s32 v1, v6  }
0x88: {  	[tilespmem:s26], [sflag:$0x3] =	stream.indirect_vreg.gather [hbm4b:s12+s5], $0x80, v8, vm0, $0xb8;
	[tilespmem:$0x1E980] =	vst v63  }
0x89: {  	s28 =	simm.s32 $0x13980  }
0x8a: {  	[tilespmem:s28], [sflag:$0x3] =	stream.indirect_vreg.gather [hbm4b:s13+s5], $0x80, v8, vm0, $0xb8;
	[tilespmem:$0x1E980] =	vst v63  }
0x8b: {  	s29 =	simm.s32 $0x14180  }
0x8c: {  	[tilespmem:s29], [sflag:$0x3] =	stream.indirect_vreg.gather [hbm4b:s1+s5], $0x80, v6, vm0, $0xb8;
	[tilespmem:$0x1E980] =	vst v63  }
0x8d: {  	s30 =	simm.s32 $0x14980  }
0x8e: {  	[tilespmem:s30], [sflag:$0x3] =	stream.indirect_vreg.gather [hbm4b:s12+s5], $0x80, v6, vm0, $0xb8;
	[tilespmem:$0x1E980] =	vst v63  }
0x8f: {  	s31 =	simm.s32 $0x15180;
	s11 =	simm.s32 $0x0  }
0x90: {  	[tilespmem:s31], [sflag:$0x3] =	stream.indirect_vreg.gather [hbm4b:s13+s5], $0x80, v6, vm0, $0xb8;
	[tilespmem:$0x1E980] =	vst v63  }
.LBB2_2:
0x91: {  	s10 =	sshll.u32 s11, $0x6  }
0x92: {  	v6 =	vld [tilespmem:s10+$0x30];
	_ =	sdelay $0x4  }
0x93: {  	v6 =	vadd.s32 v3, v6  }
0x94: {  	v7 =	vshrl.u32 v6, $0x3  }
0x95: {  	v7 =	vmul.u32 $0x30, v7  }
0x96: {  	v6 =	vand.u32 $0x7, v6  }
0x97: {  	v6 =	vor.u32 v6, v7  }
0x98: {  	v7 =	vperm.xlane v6, v0;
	_ =	sdelay $0x1  }
0x99: {  	v8 =	vld [tilespmem:s10+$0x430];
	v7 =	vadd.s32 v1, v7;
	_ =	sdelay $0x3  }
0x9a: {  	s14 =	simm.s32 $0x9980;
	v6 =	vperm.xlane v6, v2  }
0x9b: {  	v8 =	vadd.s32 v4, v8;
	[tilespmem:s14], [sflag:$0x4] =	stream.indirect_vreg.gather [hbm4b:s1+s5], $0x80, v7, vm0, $0xb8;
	[tilespmem:$0x1E980] =	vst v63  }
0x9c: {  	s26 =	simm.s32 $0xA180;
	v9 =	vshrl.u32 v8, $0x3;
	v6 =	vadd.s32 v1, v6  }
0x9d: {  	v9 =	vmul.u32 $0x30, v9;
	[tilespmem:s26], [sflag:$0x4] =	stream.indirect_vreg.gather [hbm4b:s12+s5], $0x80, v7, vm0, $0xb8;
	[tilespmem:$0x1E980] =	vst v63  }
0x9e: {  	s28 =	simm.s32 $0xA980;
	v8 =	vand.u32 $0x7, v8  }
0x9f: {  	[tilespmem:s28], [sflag:$0x4] =	stream.indirect_vreg.gather [hbm4b:s13+s5], $0x80, v7, vm0, $0xb8;
	v7 =	vor.u32 v8, v9;
	[tilespmem:$0x1E980] =	vst v63  }
0xa0: {  	s29 =	simm.s32 $0xB180;
	v8 =	vperm.xlane v7, v0  }
0xa1: {  	[tilespmem:s29], [sflag:$0x4] =	stream.indirect_vreg.gather [hbm4b:s1+s5], $0x80, v6, vm0, $0xb8;
	[tilespmem:$0x1E980] =	vst v63  }
0xa2: {  	s30 =	simm.s32 $0xB980;
	v8 =	vadd.s32 v1, v8  }
0xa3: {  	[tilespmem:s30], [sflag:$0x4] =	stream.indirect_vreg.gather [hbm4b:s12+s5], $0x80, v6, vm0, $0xb8;
	[tilespmem:$0x1E980] =	vst v63  }
0xa4: {  	s31 =	simm.s32 $0xC180  }
0xa5: {  	[tilespmem:s31], [sflag:$0x4] =	stream.indirect_vreg.gather [hbm4b:s13+s5], $0x80, v6, vm0, $0xb8;
	[tilespmem:$0x1E980] =	vst v63  }
0xa6: {  	v6 =	vperm.xlane v7, v2  }
0xa7: {  	[tilespmem:s2], [sflag:$0x4] =	stream.indirect_vreg.gather [hbm4b:s1+s5], $0x80, v8, vm0, $0xb8;
	[tilespmem:$0x1E980] =	vst v63  }
0xa8: {  	v6 =	vadd.s32 v1, v6  }
0xa9: {  	[tilespmem:s0], [sflag:$0x4] =	stream.indirect_vreg.gather [hbm4b:s12+s5], $0x80, v8, vm0, $0xb8;
	[tilespmem:$0x1E980] =	vst v63  }
0xaa: {  	_ = 	snop  }
0xab: {  	[tilespmem:s16], [sflag:$0x4] =	stream.indirect_vreg.gather [hbm4b:s13+s5], $0x80, v8, vm0, $0xb8;
	[tilespmem:$0x1E980] =	vst v63  }
0xac: {  	_ = 	snop  }
0xad: {  	[tilespmem:s17], [sflag:$0x4] =	stream.indirect_vreg.gather [hbm4b:s1+s5], $0x80, v6, vm0, $0xb8;
	[tilespmem:$0x1E980] =	vst v63  }
0xae: {  	_ = 	snop  }
0xaf: {  	[tilespmem:s18], [sflag:$0x4] =	stream.indirect_vreg.gather [hbm4b:s12+s5], $0x80, v6, vm0, $0xb8;
	[tilespmem:$0x1E980] =	vst v63  }
0xb0: {  	_ = 	snop  }
0xb1: {  	[tilespmem:s19], [sflag:$0x4] =	stream.indirect_vreg.gather [hbm4b:s13+s5], $0x80, v6, vm0, $0xb8;
	[tilespmem:$0x1E980] =	vst v63  }
0xb2: {  	_ =	swait.ge [sflag:s6], $0x3000  }
0xb3: {  	[sflag:s6] =	ssyncset.done $0x0  }
0xb4: {  	[sflag:s6] =	ssyncadd.s32 $0xFFFFD000  }
0xb5: {  	_ =	swait.ge [sflag:s6], $0x3000  }
0xb6: {  	p1 =	seq.s32 s11, $0x0;
	[sflag:s6] =	ssyncset.done $0x0  }
0xb7: {  	s20 =	simm.s32 @!p1 $0x5;
	[sflag:s6] =	ssyncadd.s32 $0xFFFFD000  }
0xb8: {  	_ =	swait.ge @!p1 [sflag:s20], $0x3000  }
0xb9: {  	s25 =	simm.s32 $0x0;
	[sflag:s20] =	ssyncset.done @!p1 $0x0  }
0xba: {  	s14 =	sor.u32 $0x30, s10;
	[sflag:s20] =	ssyncadd.s32 @!p1 $0xFFFFD000;
	s20 =	simm.s32 $0x0  }
.LBB2_3:
0xbb: {  	s26 =	sshrl.u32 s25, $0x3  }
0xbc: {  	s28 =	sand.u32 $0x7, s20;
	s26 =	smul.u32 $0x6000, s26  }
0xbd: {  	s28 =	sshll.u32 s28, $0x9  }
0xbe: {  	s26 =	sor.u32 s28, s26  }
0xbf: {  	s28 =	sshra.s32 s26, $0x2  }
0xc0: {  	s30 =	sadd.s32 $0xD80, s28  }
0xc1: {  	s26 =	sadd.s32 $0xCD80, s28;
	v7 =	vld [tilespmem:s30+$0x70]  }
0xc2: {  	v8 =	vld [tilespmem:s26+$0x70]  }
0xc3: {  	v6 =	vld [tilespmem:s26+$0xFFFFFC00]  }
0xc4: {  	v9 =	vld [tilespmem:s30+$0xFFFFFC10]  }
0xc5: {  	v10 =	vld [tilespmem:s26+$0xFFFFFC10]  }
0xc6: {  	v11 =	vld [tilespmem:s30+$0xFFFFFC20]  }
0xc7: {  	v12 =	vld [tilespmem:s26+$0xFFFFFC20]  }
0xc8: {  	v13 =	vld [tilespmem:s30+$0xFFFFFC30]  }
0xc9: {  	v14 =	vld [tilespmem:s26+$0xFFFFFC30]  }
0xca: {  	v15 =	vld [tilespmem:s30+$0xFFFFFC40]  }
0xcb: {  	v16 =	vld [tilespmem:s26+$0xFFFFFC40]  }
0xcc: {  	v17 =	vld [tilespmem:s30+$0xFFFFFC50]  }
0xcd: {  	v18 =	vld [tilespmem:s26+$0xFFFFFC50]  }
0xce: {  	v19 =	vld [tilespmem:s30+$0xFFFFFC60]  }
0xcf: {  	v20 =	vld [tilespmem:s26+$0xFFFFFC60]  }
0xd0: {  	v21 =	vld [tilespmem:s30+$0xFFFFFC70]  }
0xd1: {  	v22 =	vld [tilespmem:s26+$0xFFFFFC70];
	v8 =	vsub.f32 v8, v7  }
0xd2: {  	v23 =	vld [tilespmem:s30+$0x0];
	v10 =	vsub.f32 v10, v9  }
0xd3: {  	v24 =	vld [tilespmem:s26+$0x0];
	v12 =	vsub.f32 v12, v11;
	v8 =	vmul.f32 v8, v5  }
0xd4: {  	v25 =	vld [tilespmem:s30+$0x10];
	v14 =	vsub.f32 v14, v13;
	v10 =	vmul.f32 v10, v5  }
0xd5: {  	v7 =	vadd.f32 v8, v7;
	v8 =	vmul.f32 v12, v5;
	v12 =	vsub.f32 v16, v15;
	v16 =	vld [tilespmem:s26+$0x10]  }
0xd6: {  	s28 =	sadd.s32 $0x18D80, s28;
	v63 =	vld [tilespmem:s26+$0x20];
	v9 =	vadd.f32 v10, v9;
	v10 =	vmul.f32 v14, v5;
	v14 =	vsub.f32 v18, v17  }
0xd7: {  	v18 =	vld [tilespmem:s30+$0x20];
	[tilespmem:s28+$0x70] =	vst v7;
	v8 =	vadd.f32 v8, v11;
	v11 =	vmul.f32 v12, v5;
	v12 =	vsub.f32 v20, v19  }
0xd8: {  	[tilespmem:s28+$0xFFFFFC10] =	vst v9;
	v9 =	vadd.f32 v10, v13;
	v10 =	vmul.f32 v14, v5;
	v13 =	vsub.f32 v22, v21;
	v7 =	vld [tilespmem:s30+$0x30]  }
0xd9: {  	v14 =	vsub.f32 v24, v23;
	[tilespmem:s28+$0xFFFFFC20] =	vst v8;
	v11 =	vadd.f32 v11, v15;
	v12 =	vmul.f32 v12, v5;
	v15 =	vld [tilespmem:s26+$0x30]  }
0xda: {  	[tilespmem:s28+$0xFFFFFC30] =	vst v9;
	v9 =	vadd.f32 v10, v17;
	v10 =	vmul.f32 v13, v5;
	v8 =	vld [tilespmem:s30+$0x40];
	v13 =	vsub.f32 v16, v25  }
0xdb: {  	v16 =	vld [tilespmem:s26+$0x40];
	[tilespmem:s28+$0xFFFFFC40] =	vst v11;
	v11 =	vadd.f32 v12, v19;
	v12 =	vmul.f32 v14, v5  }
0xdc: {  	[tilespmem:s28+$0xFFFFFC50] =	vst v9;
	v10 =	vadd.f32 v10, v21;
	v14 =	vsub.f32 v63, v18;
	v9 =	vld [tilespmem:s30+$0x50];
	v13 =	vmul.f32 v13, v5  }
0xdd: {  	[tilespmem:s28+$0xFFFFFC60] =	vst v11;
	v11 =	vadd.f32 v12, v23;
	v12 =	vld [tilespmem:s26+$0x50]  }
0xde: {  	[tilespmem:s28+$0xFFFFFC70] =	vst v10;
	v14 =	vmul.f32 v14, v5;
	v10 =	vld [tilespmem:s30+$0x60];
	v17 =	vadd.f32 v13, v25;
	v15 =	vsub.f32 v15, v7  }
0xdf: {  	v13 =	vld [tilespmem:s26+$0x60];
	[tilespmem:s28+$0x0] =	vst v11  }
0xe0: {  	s29 =	simm.s32 $0x0;
	v11 =	vld [tilespmem:s30+$0xFFFFFC00];
	v14 =	vadd.f32 v14, v18;
	v16 =	vsub.f32 v16, v8;
	s30 =	sadd.s32 $0x800, s30;
	[tilespmem:s28+$0x10] =	vst v17;
	v15 =	vmul.f32 v15, v5  }
.LBB2_4:
0xe1: {  	v17 =	vld [tilespmem:s30+$0x70];
	s26 =	sadd.s32 $0x800, s26  }
0xe2: {  	s29 =	sadd.s32 $0x10, s29;
	v18 =	vld [tilespmem:s26+$0x70];
	[tilespmem:s28+$0x20] =	vst v14;
	v7 =	vadd.f32 v15, v7;
	v14 =	vmul.f32 v16, v5;
	v12 =	vsub.f32 v12, v9  }
0xe3: {  	p0 =	slt.u32 s29, $0x20;
	v15 =	vld [tilespmem:s26+$0xFFFFFC00]  }
0xe4: {  	v16 =	vld [tilespmem:s30+$0xFFFFFC10];
	[tilespmem:s28+$0x30] =	vst v7;
	v7 =	vadd.f32 v14, v8;
	v8 =	vmul.f32 v12, v5;
	v12 =	vsub.f32 v13, v10  }
0xe5: {  	v13 =	vld [tilespmem:s26+$0xFFFFFC10];
	v20 =	vsub.f32 v6, v11  }
0xe6: {  	v14 =	vld [tilespmem:s30+$0xFFFFFC20];
	[tilespmem:s28+$0x40] =	vst v7;
	v7 =	vadd.f32 v8, v9;
	v8 =	vmul.f32 v12, v5  }
0xe7: {  	v9 =	vld [tilespmem:s26+$0xFFFFFC20];
	v12 =	vsub.f32 v18, v17;
	v18 =	vmul.f32 v20, v5  }
0xe8: {  	v19 =	vld [tilespmem:s30+$0xFFFFFC30];
	[tilespmem:s28+$0x50] =	vst v7;
	v7 =	vadd.f32 v8, v10;
	v6 =	vmov v15  }
0xe9: {  	v8 =	vld [tilespmem:s26+$0xFFFFFC30];
	v10 =	vmul.f32 v12, v5;
	v11 =	vadd.f32 v18, v11  }
0xea: {  	v12 =	vsub.f32 v13, v16;
	v13 =	vld [tilespmem:s30+$0xFFFFFC40];
	[tilespmem:s28+$0x60] =	vst v7  }
0xeb: {  	v7 =	vld [tilespmem:s26+$0xFFFFFC40];
	v10 =	vadd.f32 v10, v17;
	[tilespmem:s28+$0xFFFFFC00] =	vst v11  }
0xec: {  	s28 =	sadd.s32 $0x800, s28;
	v11 =	vmul.f32 v12, v5;
	v9 =	vsub.f32 v9, v14;
	v12 =	vld [tilespmem:s30+$0xFFFFFC50]  }
0xed: {  	v15 =	vld [tilespmem:s26+$0xFFFFFC50];
	[tilespmem:s28+$0x70] =	vst v10  }
0xee: {  	v10 =	vadd.f32 v11, v16;
	v9 =	vmul.f32 v9, v5;
	v8 =	vsub.f32 v8, v19;
	v11 =	vld [tilespmem:s30+$0xFFFFFC60]  }
0xef: {  	v16 =	vld [tilespmem:s26+$0xFFFFFC60]  }
0xf0: {  	[tilespmem:s28+$0xFFFFFC10] =	vst v10;
	v9 =	vadd.f32 v9, v14;
	v8 =	vmul.f32 v8, v5;
	v7 =	vsub.f32 v7, v13;
	v10 =	vld [tilespmem:s30+$0xFFFFFC70]  }
0xf1: {  	v14 =	vld [tilespmem:s26+$0xFFFFFC70]  }
0xf2: {  	[tilespmem:s28+$0xFFFFFC20] =	vst v9;
	v8 =	vadd.f32 v8, v19;
	v7 =	vmul.f32 v7, v5;
	v9 =	vsub.f32 v15, v12;
	v15 =	vld [tilespmem:s30+$0x0]  }
0xf3: {  	v17 =	vld [tilespmem:s26+$0x0]  }
0xf4: {  	[tilespmem:s28+$0xFFFFFC30] =	vst v8;
	v7 =	vadd.f32 v7, v13;
	v8 =	vmul.f32 v9, v5;
	v9 =	vsub.f32 v16, v11;
	v13 =	vld [tilespmem:s30+$0x10]  }
0xf5: {  	v16 =	vld [tilespmem:s26+$0x10]  }
0xf6: {  	[tilespmem:s28+$0xFFFFFC40] =	vst v7;
	v7 =	vadd.f32 v8, v12;
	v8 =	vmul.f32 v9, v5;
	v9 =	vsub.f32 v14, v10;
	v14 =	vld [tilespmem:s30+$0x20]  }
0xf7: {  	v12 =	vld [tilespmem:s26+$0x20]  }
0xf8: {  	[tilespmem:s28+$0xFFFFFC50] =	vst v7;
	v8 =	vadd.f32 v8, v11;
	v9 =	vmul.f32 v9, v5;
	v11 =	vsub.f32 v17, v15;
	v7 =	vld [tilespmem:s30+$0x30]  }
0xf9: {  	v17 =	vld [tilespmem:s26+$0x30]  }
0xfa: {  	[tilespmem:s28+$0xFFFFFC60] =	vst v8;
	v9 =	vadd.f32 v9, v10;
	v10 =	vmul.f32 v11, v5;
	v11 =	vsub.f32 v16, v13;
	v8 =	vld [tilespmem:s30+$0x40]  }
0xfb: {  	v16 =	vld [tilespmem:s26+$0x40]  }
.Ltmp0:
0xfc: {  	[tilespmem:s28+$0xFFFFFC70] =	vst v9;
	v10 =	vadd.f32 v10, v15;
	v11 =	vmul.f32 v11, v5;
	v15 =	vsub.f32 v12, v14;
	v9 =	vld [tilespmem:s30+$0x50];
	(pc) =	sbr.rel @p0 .LBB2_4-.Ltmp0, $4  }
0xfd: {  	v12 =	vld [tilespmem:s26+$0x50]  }
0xfe: {  	[tilespmem:s28+$0x0] =	vst v10;
	v18 =	vadd.f32 v11, v13;
	v15 =	vmul.f32 v15, v5;
	v17 =	vsub.f32 v17, v7;
	v10 =	vld [tilespmem:s30+$0x60]  }
0xff: {  	v13 =	vld [tilespmem:s26+$0x60]  }
0x100: {  	v11 =	vld [tilespmem:s30+$0xFFFFFC00];
	[tilespmem:s28+$0x10] =	vst v18;
	v14 =	vadd.f32 v15, v14;
	v15 =	vmul.f32 v17, v5;
	v16 =	vsub.f32 v16, v8;
	s30 =	sadd.s32 $0x800, s30  }
0x101: {  	_ =	sdelay $0x1  }
0x102: {  	v12 =	vsub.f32 v12, v9  }
0x103: {  	v16 =	vmul.f32 v16, v5;
	v13 =	vsub.f32 v13, v10  }
0x104: {  	s25 =	sadd.s32 $0x1, s25;
	v7 =	vadd.f32 v15, v7;
	v12 =	vmul.f32 v12, v5;
	v6 =	vsub.f32 v6, v11  }
0x105: {  	[tilespmem:s28+$0x20] =	vst v14;
	p0 =	sne.s32 s25, $0x10;
	v8 =	vadd.f32 v16, v8;
	v13 =	vmul.f32 v13, v5  }
.Ltmp1:
0x106: {  	[tilespmem:s28+$0x30] =	vst v7;
	v7 =	vadd.f32 v12, v9;
	v6 =	vmul.f32 v6, v5;
	(pc) =	sbr.rel @p0 .LBB2_3-.Ltmp1, $4  }
0x107: {  	[tilespmem:s28+$0x40] =	vst v8;
	v63 =	vadd.f32 v13, v10  }
0x108: {  	[tilespmem:s28+$0x50] =	vst v7;
	v6 =	vadd.f32 v6, v11  }
0x109: {  	[tilespmem:s28+$0x60] =	vst v63  }
0x10a: {  	s20 =	sadd.s32 $0x1, s20;
	[tilespmem:s28+$0xFFFFFC00] =	vst v6  }
0x10b: {  	s20 =	sor.u32 s3, s10  }
0x10c: {  	s20 =	sshrl.u32 s20, $0x3  }
0x10d: {  	s20 =	smul.u32 $0x300, s20;
	_ =	sdelay $0x1  }
0x10e: {  	p0 =	seq.s32 s11, $0xF;
	s25 =	sadd.s32 s4, s20  }
0x10f: {  	[hbm4b:s25+s5] =	stream.linear.scatter [tilespmem:s21], [sflag:$0x5], $0x3000, $0x38;
	[tilespmem:$0x1E980] =	vst v63  }
0x110: {  	v6 =	vld @!p0 [tilespmem:s10+$0x40];
	_ =	sdelay $0x4  }
0x111: {  	v6 =	vadd.s32 @!p0 v3, v6  }
0x112: {  	v7 =	vshrl.u32 @!p0 v6, $0x3  }
0x113: {  	v7 =	vmul.u32 @!p0 $0x30, v7  }
0x114: {  	v8 =	vlaneseq.u32 @!p0;
	v6 =	vand.u32 @!p0 $0x7, v6  }
0x115: {  	v9 =	vshrl.u32 @!p0 v8, $0x3;
	v6 =	vor.u32 @!p0 v6, v7;
	v7 =	vand.u32 @!p0 $0x7, v8  }
0x116: {  	v9 =	vmul.u32 @!p0 $0x8, v9;
	v10 =	vperm.xlane @!p0 v6, v7;
	_ =	sdelay $0x1  }
0x117: {  	v11 =	vld @!p0 [tilespmem:s10+$0x440];
	v10 =	vadd.s32 @!p0 v9, v10;
	_ =	sdelay $0x2  }
0x118: {  	v8 =	vor.u32 @!p0 $0x8, v8  }
0x119: {  	vm1 =	vmmov @!p0 $0xffff;
	s26 =	simm.s32 @!p0 $0x980;
	s25 =	simm.s32 @!p0 $0x0;
	v6 =	vperm.xlane @!p0 v6, v8  }
0x11a: {  	v11 =	vadd.s32 @!p0 v4, v11;
	[tilespmem:s26], [sflag:$0x1] =	stream.indirect_vreg.gather @!p0 [hbm4b:s1+s25], $0x80, v10, vm1, $0xb8;
	[tilespmem:$0x1E980] =	vst v63  }
0x11b: {  	v12 =	vshrl.u32 @!p0 v11, $0x3;
	v6 =	vadd.s32 @!p0 v9, v6;
	s26 =	simm.s32 @!p0 $0x1180  }
0x11c: {  	v12 =	vmul.u32 @!p0 $0x30, v12;
	[tilespmem:s26], [sflag:$0x1] =	stream.indirect_vreg.gather @!p0 [hbm4b:s12+s25], $0x80, v10, vm1, $0xb8;
	[tilespmem:$0x1E980] =	vst v63  }
0x11d: {  	v11 =	vand.u32 @!p0 $0x7, v11;
	s26 =	simm.s32 @!p0 $0x1980  }
0x11e: {  	[tilespmem:s26], [sflag:$0x1] =	stream.indirect_vreg.gather @!p0 [hbm4b:s13+s25], $0x80, v10, vm1, $0xb8;
	v10 =	vor.u32 @!p0 v11, v12;
	[tilespmem:$0x1E980] =	vst v63  }
0x11f: {  	s26 =	simm.s32 @!p0 $0x2180;
	v7 =	vperm.xlane @!p0 v10, v7  }
0x120: {  	[tilespmem:s26], [sflag:$0x1] =	stream.indirect_vreg.gather @!p0 [hbm4b:s1+s25], $0x80, v6, vm1, $0xb8;
	[tilespmem:$0x1E980] =	vst v63  }
0x121: {  	s26 =	simm.s32 @!p0 $0x2980;
	v7 =	vadd.s32 @!p0 v9, v7  }
0x122: {  	[tilespmem:s26], [sflag:$0x1] =	stream.indirect_vreg.gather @!p0 [hbm4b:s12+s25], $0x80, v6, vm1, $0xb8;
	[tilespmem:$0x1E980] =	vst v63  }
0x123: {  	s26 =	simm.s32 @!p0 $0x3180  }
0x124: {  	[tilespmem:s26], [sflag:$0x1] =	stream.indirect_vreg.gather @!p0 [hbm4b:s13+s25], $0x80, v6, vm1, $0xb8;
	[tilespmem:$0x1E980] =	vst v63  }
0x125: {  	s26 =	simm.s32 @!p0 $0xC980;
	v6 =	vperm.xlane @!p0 v10, v8  }
0x126: {  	[tilespmem:s26], [sflag:$0x1] =	stream.indirect_vreg.gather @!p0 [hbm4b:s1+s25], $0x80, v7, vm1, $0xb8;
	[tilespmem:$0x1E980] =	vst v63  }
0x127: {  	s26 =	simm.s32 @!p0 $0xD180;
	v6 =	vadd.s32 @!p0 v9, v6  }
0x128: {  	[tilespmem:s26], [sflag:$0x1] =	stream.indirect_vreg.gather @!p0 [hbm4b:s12+s25], $0x80, v7, vm1, $0xb8;
	[tilespmem:$0x1E980] =	vst v63  }
0x129: {  	s26 =	simm.s32 @!p0 $0xD980  }
0x12a: {  	[tilespmem:s26], [sflag:$0x1] =	stream.indirect_vreg.gather @!p0 [hbm4b:s13+s25], $0x80, v7, vm1, $0xb8;
	[tilespmem:$0x1E980] =	vst v63  }
0x12b: {  	s26 =	simm.s32 @!p0 $0xE180  }
0x12c: {  	[tilespmem:s26], [sflag:$0x1] =	stream.indirect_vreg.gather @!p0 [hbm4b:s1+s25], $0x80, v6, vm1, $0xb8;
	[tilespmem:$0x1E980] =	vst v63  }
0x12d: {  	s26 =	simm.s32 @!p0 $0xE980  }
0x12e: {  	[tilespmem:s26], [sflag:$0x1] =	stream.indirect_vreg.gather @!p0 [hbm4b:s12+s25], $0x80, v6, vm1, $0xb8;
	[tilespmem:$0x1E980] =	vst v63  }
0x12f: {  	s26 =	simm.s32 @!p0 $0xF180  }
0x130: {  	[tilespmem:s26], [sflag:$0x1] =	stream.indirect_vreg.gather @!p0 [hbm4b:s13+s25], $0x80, v6, vm1, $0xb8;
	[tilespmem:$0x1E980] =	vst v63  }
0x131: {  	_ =	swait.ge [sflag:s22], $0x3000  }
0x132: {  	[sflag:s22] =	ssyncset.done $0x0  }
0x133: {  	[sflag:s22] =	ssyncadd.s32 $0xFFFFD000  }
0x134: {  	_ =	swait.ge [sflag:s22], $0x3000  }
0x135: {  	[sflag:s22] =	ssyncset.done $0x0  }
0x136: {  	s25 =	simm.s32 @!p1 $0x6;
	[sflag:s22] =	ssyncadd.s32 $0xFFFFD000  }
0x137: {  	_ =	swait.ge @!p1 [sflag:s25], $0x3000  }
0x138: {  	[sflag:s25] =	ssyncset.done @!p1 $0x0  }
0x139: {  	s26 =	simm.s32 $0x0;
	[sflag:s25] =	ssyncadd.s32 @!p1 $0xFFFFD000;
	s25 =	simm.s32 $0x0  }
.LBB2_7:
0x13a: {  	s28 =	sshrl.u32 s26, $0x3  }
0x13b: {  	s29 =	sand.u32 $0x7, s25;
	s28 =	smul.u32 $0x6000, s28  }
0x13c: {  	s29 =	sshll.u32 s29, $0x9  }
0x13d: {  	s28 =	sor.u32 s29, s28  }
0x13e: {  	s29 =	sshra.s32 s28, $0x2  }
0x13f: {  	s31 =	sadd.s32 $0x3D80, s29  }
0x140: {  	s28 =	sadd.s32 $0xFD80, s29;
	v7 =	vld [tilespmem:s31+$0x70]  }
0x141: {  	v8 =	vld [tilespmem:s28+$0x70]  }
0x142: {  	v6 =	vld [tilespmem:s28+$0xFFFFFC00]  }
0x143: {  	v9 =	vld [tilespmem:s31+$0xFFFFFC10]  }
0x144: {  	v10 =	vld [tilespmem:s28+$0xFFFFFC10]  }
0x145: {  	v11 =	vld [tilespmem:s31+$0xFFFFFC20]  }
0x146: {  	v12 =	vld [tilespmem:s28+$0xFFFFFC20]  }
0x147: {  	v13 =	vld [tilespmem:s31+$0xFFFFFC30]  }
0x148: {  	v14 =	vld [tilespmem:s28+$0xFFFFFC30]  }
0x149: {  	v15 =	vld [tilespmem:s31+$0xFFFFFC40]  }
0x14a: {  	v16 =	vld [tilespmem:s28+$0xFFFFFC40]  }
0x14b: {  	v17 =	vld [tilespmem:s31+$0xFFFFFC50]  }
0x14c: {  	v18 =	vld [tilespmem:s28+$0xFFFFFC50]  }
0x14d: {  	v19 =	vld [tilespmem:s31+$0xFFFFFC60]  }
0x14e: {  	v20 =	vld [tilespmem:s28+$0xFFFFFC60]  }
0x14f: {  	v21 =	vld [tilespmem:s31+$0xFFFFFC70]  }
0x150: {  	v22 =	vld [tilespmem:s28+$0xFFFFFC70];
	v8 =	vsub.f32 v8, v7  }
0x151: {  	v23 =	vld [tilespmem:s31+$0x0];
	v10 =	vsub.f32 v10, v9  }
0x152: {  	v24 =	vld [tilespmem:s28+$0x0];
	v12 =	vsub.f32 v12, v11;
	v8 =	vmul.f32 v8, v5  }
0x153: {  	v25 =	vld [tilespmem:s31+$0x10];
	v14 =	vsub.f32 v14, v13;
	v10 =	vmul.f32 v10, v5  }
0x154: {  	v7 =	vadd.f32 v8, v7;
	v8 =	vmul.f32 v12, v5;
	v12 =	vsub.f32 v16, v15;
	v16 =	vld [tilespmem:s28+$0x10]  }
0x155: {  	s29 =	sadd.s32 $0x1BD80, s29;
	v63 =	vld [tilespmem:s28+$0x20];
	v9 =	vadd.f32 v10, v9;
	v10 =	vmul.f32 v14, v5;
	v14 =	vsub.f32 v18, v17  }
0x156: {  	v18 =	vld [tilespmem:s31+$0x20];
	[tilespmem:s29+$0x70] =	vst v7;
	v8 =	vadd.f32 v8, v11;
	v11 =	vmul.f32 v12, v5;
	v12 =	vsub.f32 v20, v19  }
0x157: {  	[tilespmem:s29+$0xFFFFFC10] =	vst v9;
	v9 =	vadd.f32 v10, v13;
	v10 =	vmul.f32 v14, v5;
	v13 =	vsub.f32 v22, v21;
	v7 =	vld [tilespmem:s31+$0x30]  }
0x158: {  	v14 =	vsub.f32 v24, v23;
	[tilespmem:s29+$0xFFFFFC20] =	vst v8;
	v11 =	vadd.f32 v11, v15;
	v12 =	vmul.f32 v12, v5;
	v15 =	vld [tilespmem:s28+$0x30]  }
0x159: {  	[tilespmem:s29+$0xFFFFFC30] =	vst v9;
	v9 =	vadd.f32 v10, v17;
	v10 =	vmul.f32 v13, v5;
	v8 =	vld [tilespmem:s31+$0x40];
	v13 =	vsub.f32 v16, v25  }
0x15a: {  	v16 =	vld [tilespmem:s28+$0x40];
	[tilespmem:s29+$0xFFFFFC40] =	vst v11;
	v11 =	vadd.f32 v12, v19;
	v12 =	vmul.f32 v14, v5  }
0x15b: {  	[tilespmem:s29+$0xFFFFFC50] =	vst v9;
	v10 =	vadd.f32 v10, v21;
	v14 =	vsub.f32 v63, v18;
	v9 =	vld [tilespmem:s31+$0x50];
	v13 =	vmul.f32 v13, v5  }
0x15c: {  	[tilespmem:s29+$0xFFFFFC60] =	vst v11;
	v11 =	vadd.f32 v12, v23;
	v12 =	vld [tilespmem:s28+$0x50]  }
0x15d: {  	[tilespmem:s29+$0xFFFFFC70] =	vst v10;
	v14 =	vmul.f32 v14, v5;
	v10 =	vld [tilespmem:s31+$0x60];
	v17 =	vadd.f32 v13, v25;
	v15 =	vsub.f32 v15, v7  }
0x15e: {  	v13 =	vld [tilespmem:s28+$0x60];
	[tilespmem:s29+$0x0] =	vst v11  }
0x15f: {  	s30 =	simm.s32 $0x0;
	v11 =	vld [tilespmem:s31+$0xFFFFFC00];
	v14 =	vadd.f32 v14, v18;
	v16 =	vsub.f32 v16, v8;
	s31 =	sadd.s32 $0x800, s31;
	[tilespmem:s29+$0x10] =	vst v17;
	v15 =	vmul.f32 v15, v5  }
.LBB2_8:
0x160: {  	v17 =	vld [tilespmem:s31+$0x70];
	s28 =	sadd.s32 $0x800, s28  }
0x161: {  	s30 =	sadd.s32 $0x10, s30;
	v18 =	vld [tilespmem:s28+$0x70];
	[tilespmem:s29+$0x20] =	vst v14;
	v7 =	vadd.f32 v15, v7;
	v14 =	vmul.f32 v16, v5;
	v12 =	vsub.f32 v12, v9  }
0x162: {  	p1 =	slt.u32 s30, $0x20;
	v15 =	vld [tilespmem:s28+$0xFFFFFC00]  }
0x163: {  	v16 =	vld [tilespmem:s31+$0xFFFFFC10];
	[tilespmem:s29+$0x30] =	vst v7;
	v7 =	vadd.f32 v14, v8;
	v8 =	vmul.f32 v12, v5;
	v12 =	vsub.f32 v13, v10  }
0x164: {  	v13 =	vld [tilespmem:s28+$0xFFFFFC10];
	v20 =	vsub.f32 v6, v11  }
0x165: {  	v14 =	vld [tilespmem:s31+$0xFFFFFC20];
	[tilespmem:s29+$0x40] =	vst v7;
	v7 =	vadd.f32 v8, v9;
	v8 =	vmul.f32 v12, v5  }
0x166: {  	v9 =	vld [tilespmem:s28+$0xFFFFFC20];
	v12 =	vsub.f32 v18, v17;
	v18 =	vmul.f32 v20, v5  }
0x167: {  	v19 =	vld [tilespmem:s31+$0xFFFFFC30];
	[tilespmem:s29+$0x50] =	vst v7;
	v7 =	vadd.f32 v8, v10;
	v6 =	vmov v15  }
0x168: {  	v8 =	vld [tilespmem:s28+$0xFFFFFC30];
	v10 =	vmul.f32 v12, v5;
	v11 =	vadd.f32 v18, v11  }
0x169: {  	v12 =	vsub.f32 v13, v16;
	v13 =	vld [tilespmem:s31+$0xFFFFFC40];
	[tilespmem:s29+$0x60] =	vst v7  }
0x16a: {  	v7 =	vld [tilespmem:s28+$0xFFFFFC40];
	v10 =	vadd.f32 v10, v17;
	[tilespmem:s29+$0xFFFFFC00] =	vst v11  }
0x16b: {  	s29 =	sadd.s32 $0x800, s29;
	v11 =	vmul.f32 v12, v5;
	v9 =	vsub.f32 v9, v14;
	v12 =	vld [tilespmem:s31+$0xFFFFFC50]  }
0x16c: {  	v15 =	vld [tilespmem:s28+$0xFFFFFC50];
	[tilespmem:s29+$0x70] =	vst v10  }
0x16d: {  	v10 =	vadd.f32 v11, v16;
	v9 =	vmul.f32 v9, v5;
	v8 =	vsub.f32 v8, v19;
	v11 =	vld [tilespmem:s31+$0xFFFFFC60]  }
0x16e: {  	v16 =	vld [tilespmem:s28+$0xFFFFFC60]  }
0x16f: {  	[tilespmem:s29+$0xFFFFFC10] =	vst v10;
	v9 =	vadd.f32 v9, v14;
	v8 =	vmul.f32 v8, v5;
	v7 =	vsub.f32 v7, v13;
	v10 =	vld [tilespmem:s31+$0xFFFFFC70]  }
0x170: {  	v14 =	vld [tilespmem:s28+$0xFFFFFC70]  }
0x171: {  	[tilespmem:s29+$0xFFFFFC20] =	vst v9;
	v8 =	vadd.f32 v8, v19;
	v7 =	vmul.f32 v7, v5;
	v9 =	vsub.f32 v15, v12;
	v15 =	vld [tilespmem:s31+$0x0]  }
0x172: {  	v17 =	vld [tilespmem:s28+$0x0]  }
0x173: {  	[tilespmem:s29+$0xFFFFFC30] =	vst v8;
	v7 =	vadd.f32 v7, v13;
	v8 =	vmul.f32 v9, v5;
	v9 =	vsub.f32 v16, v11;
	v13 =	vld [tilespmem:s31+$0x10]  }
0x174: {  	v16 =	vld [tilespmem:s28+$0x10]  }
0x175: {  	[tilespmem:s29+$0xFFFFFC40] =	vst v7;
	v7 =	vadd.f32 v8, v12;
	v8 =	vmul.f32 v9, v5;
	v9 =	vsub.f32 v14, v10;
	v14 =	vld [tilespmem:s31+$0x20]  }
0x176: {  	v12 =	vld [tilespmem:s28+$0x20]  }
0x177: {  	[tilespmem:s29+$0xFFFFFC50] =	vst v7;
	v8 =	vadd.f32 v8, v11;
	v9 =	vmul.f32 v9, v5;
	v11 =	vsub.f32 v17, v15;
	v7 =	vld [tilespmem:s31+$0x30]  }
0x178: {  	v17 =	vld [tilespmem:s28+$0x30]  }
0x179: {  	[tilespmem:s29+$0xFFFFFC60] =	vst v8;
	v9 =	vadd.f32 v9, v10;
	v10 =	vmul.f32 v11, v5;
	v11 =	vsub.f32 v16, v13;
	v8 =	vld [tilespmem:s31+$0x40]  }
0x17a: {  	v16 =	vld [tilespmem:s28+$0x40]  }
.Ltmp2:
0x17b: {  	[tilespmem:s29+$0xFFFFFC70] =	vst v9;
	v10 =	vadd.f32 v10, v15;
	v11 =	vmul.f32 v11, v5;
	v15 =	vsub.f32 v12, v14;
	v9 =	vld [tilespmem:s31+$0x50];
	(pc) =	sbr.rel @p1 .LBB2_8-.Ltmp2, $4  }
0x17c: {  	v12 =	vld [tilespmem:s28+$0x50]  }
0x17d: {  	[tilespmem:s29+$0x0] =	vst v10;
	v18 =	vadd.f32 v11, v13;
	v15 =	vmul.f32 v15, v5;
	v17 =	vsub.f32 v17, v7;
	v10 =	vld [tilespmem:s31+$0x60]  }
0x17e: {  	v13 =	vld [tilespmem:s28+$0x60]  }
0x17f: {  	v11 =	vld [tilespmem:s31+$0xFFFFFC00];
	[tilespmem:s29+$0x10] =	vst v18;
	v14 =	vadd.f32 v15, v14;
	v15 =	vmul.f32 v17, v5;
	v16 =	vsub.f32 v16, v8;
	s31 =	sadd.s32 $0x800, s31  }
0x180: {  	_ =	sdelay $0x1  }
0x181: {  	v12 =	vsub.f32 v12, v9  }
0x182: {  	v16 =	vmul.f32 v16, v5;
	v13 =	vsub.f32 v13, v10  }
0x183: {  	s26 =	sadd.s32 $0x1, s26;
	v7 =	vadd.f32 v15, v7;
	v12 =	vmul.f32 v12, v5;
	v6 =	vsub.f32 v6, v11  }
0x184: {  	[tilespmem:s29+$0x20] =	vst v14;
	p1 =	sne.s32 s26, $0x10;
	v8 =	vadd.f32 v16, v8;
	v13 =	vmul.f32 v13, v5  }
.Ltmp3:
0x185: {  	[tilespmem:s29+$0x30] =	vst v7;
	v7 =	vadd.f32 v12, v9;
	v6 =	vmul.f32 v6, v5;
	(pc) =	sbr.rel @p1 .LBB2_7-.Ltmp3, $4  }
0x186: {  	[tilespmem:s29+$0x40] =	vst v8;
	v63 =	vadd.f32 v13, v10  }
0x187: {  	[tilespmem:s29+$0x50] =	vst v7;
	v6 =	vadd.f32 v6, v11  }
0x188: {  	[tilespmem:s29+$0x60] =	vst v63  }
0x189: {  	s25 =	sadd.s32 $0x1, s25;
	[tilespmem:s29+$0xFFFFFC00] =	vst v6  }
0x18a: {  	s25 =	sadd.s32 s20, s4  }
0x18b: {  	s25 =	sadd.s32 $0x600, s25  }
0x18c: {  	[hbm4b:s25+s5] =	stream.linear.scatter [tilespmem:s23], [sflag:$0x6], $0x3000, $0x38;
	[tilespmem:$0x1E980] =	vst v63  }
0x18d: {  	v6 =	vld @!p0 [tilespmem:s10+$0x50];
	_ =	sdelay $0x4  }
0x18e: {  	v6 =	vadd.s32 @!p0 v3, v6  }
0x18f: {  	v7 =	vshrl.u32 @!p0 v6, $0x3  }
0x190: {  	v7 =	vmul.u32 @!p0 $0x30, v7  }
0x191: {  	v8 =	vlaneseq.u32 @!p0;
	v6 =	vand.u32 @!p0 $0x7, v6  }
0x192: {  	v9 =	vshrl.u32 @!p0 v8, $0x3;
	v6 =	vor.u32 @!p0 v6, v7;
	v7 =	vand.u32 @!p0 $0x7, v8  }
0x193: {  	v9 =	vmul.u32 @!p0 $0x8, v9;
	v10 =	vperm.xlane @!p0 v6, v7;
	_ =	sdelay $0x1  }
0x194: {  	v11 =	vld @!p0 [tilespmem:s10+$0x450];
	v10 =	vadd.s32 @!p0 v9, v10;
	_ =	sdelay $0x2  }
0x195: {  	v8 =	vor.u32 @!p0 $0x8, v8  }
0x196: {  	s26 =	simm.s32 @!p0 $0x3980;
	s25 =	simm.s32 @!p0 $0x0;
	v6 =	vperm.xlane @!p0 v6, v8  }
0x197: {  	v11 =	vadd.s32 @!p0 v4, v11;
	[tilespmem:s26], [sflag:$0x2] =	stream.indirect_vreg.gather @!p0 [hbm4b:s1+s25], $0x80, v10, vm1, $0xb8;
	[tilespmem:$0x1E980] =	vst v63  }
0x198: {  	v12 =	vshrl.u32 @!p0 v11, $0x3;
	v6 =	vadd.s32 @!p0 v9, v6;
	s26 =	simm.s32 @!p0 $0x4180  }
0x199: {  	v12 =	vmul.u32 @!p0 $0x30, v12;
	[tilespmem:s26], [sflag:$0x2] =	stream.indirect_vreg.gather @!p0 [hbm4b:s12+s25], $0x80, v10, vm1, $0xb8;
	[tilespmem:$0x1E980] =	vst v63  }
0x19a: {  	v11 =	vand.u32 @!p0 $0x7, v11;
	s26 =	simm.s32 @!p0 $0x4980  }
0x19b: {  	[tilespmem:s26], [sflag:$0x2] =	stream.indirect_vreg.gather @!p0 [hbm4b:s13+s25], $0x80, v10, vm1, $0xb8;
	v10 =	vor.u32 @!p0 v11, v12;
	[tilespmem:$0x1E980] =	vst v63  }
0x19c: {  	s26 =	simm.s32 @!p0 $0x5180;
	v7 =	vperm.xlane @!p0 v10, v7  }
0x19d: {  	[tilespmem:s26], [sflag:$0x2] =	stream.indirect_vreg.gather @!p0 [hbm4b:s1+s25], $0x80, v6, vm1, $0xb8;
	[tilespmem:$0x1E980] =	vst v63  }
0x19e: {  	s26 =	simm.s32 @!p0 $0x5980;
	v7 =	vadd.s32 @!p0 v9, v7  }
0x19f: {  	[tilespmem:s26], [sflag:$0x2] =	stream.indirect_vreg.gather @!p0 [hbm4b:s12+s25], $0x80, v6, vm1, $0xb8;
	[tilespmem:$0x1E980] =	vst v63  }
0x1a0: {  	s26 =	simm.s32 @!p0 $0x6180  }
0x1a1: {  	[tilespmem:s26], [sflag:$0x2] =	stream.indirect_vreg.gather @!p0 [hbm4b:s13+s25], $0x80, v6, vm1, $0xb8;
	[tilespmem:$0x1E980] =	vst v63  }
0x1a2: {  	s26 =	simm.s32 @!p0 $0xF980;
	v6 =	vperm.xlane @!p0 v10, v8  }
0x1a3: {  	[tilespmem:s26], [sflag:$0x2] =	stream.indirect_vreg.gather @!p0 [hbm4b:s1+s25], $0x80, v7, vm1, $0xb8;
	[tilespmem:$0x1E980] =	vst v63  }
0x1a4: {  	s26 =	simm.s32 @!p0 $0x10180;
	v6 =	vadd.s32 @!p0 v9, v6  }
0x1a5: {  	[tilespmem:s26], [sflag:$0x2] =	stream.indirect_vreg.gather @!p0 [hbm4b:s12+s25], $0x80, v7, vm1, $0xb8;
	[tilespmem:$0x1E980] =	vst v63  }
0x1a6: {  	s26 =	simm.s32 @!p0 $0x10980  }
0x1a7: {  	[tilespmem:s26], [sflag:$0x2] =	stream.indirect_vreg.gather @!p0 [hbm4b:s13+s25], $0x80, v7, vm1, $0xb8;
	[tilespmem:$0x1E980] =	vst v63  }
0x1a8: {  	s26 =	simm.s32 @!p0 $0x11180  }
0x1a9: {  	[tilespmem:s26], [sflag:$0x2] =	stream.indirect_vreg.gather @!p0 [hbm4b:s1+s25], $0x80, v6, vm1, $0xb8;
	[tilespmem:$0x1E980] =	vst v63  }
0x1aa: {  	s26 =	simm.s32 @!p0 $0x11980  }
0x1ab: {  	[tilespmem:s26], [sflag:$0x2] =	stream.indirect_vreg.gather @!p0 [hbm4b:s12+s25], $0x80, v6, vm1, $0xb8;
	[tilespmem:$0x1E980] =	vst v63  }
0x1ac: {  	s26 =	simm.s32 @!p0 $0x12180  }
0x1ad: {  	[tilespmem:s26], [sflag:$0x2] =	stream.indirect_vreg.gather @!p0 [hbm4b:s13+s25], $0x80, v6, vm1, $0xb8;
	[tilespmem:$0x1E980] =	vst v63  }
0x1ae: {  	_ =	swait.ge [sflag:s24], $0x3000  }
0x1af: {  	[sflag:s24] =	ssyncset.done $0x0  }
0x1b0: {  	[sflag:s24] =	ssyncadd.s32 $0xFFFFD000  }
0x1b1: {  	_ =	swait.ge [sflag:s24], $0x3000  }
0x1b2: {  	[sflag:s24] =	ssyncset.done $0x0  }
0x1b3: {  	[sflag:s24] =	ssyncadd.s32 $0xFFFFD000  }
0x1b4: {  	_ =	swait.ge [sflag:s7], $0x3000  }
0x1b5: {  	[sflag:s7] =	ssyncset.done $0x0  }
0x1b6: {  	s25 =	simm.s32 $0x0;
	s26 =	simm.s32 $0x0;
	[sflag:s7] =	ssyncadd.s32 $0xFFFFD000  }
.LBB2_11:
0x1b7: {  	s28 =	sshrl.u32 s26, $0x3  }
0x1b8: {  	s29 =	sand.u32 $0x7, s25;
	s28 =	smul.u32 $0x6000, s28  }
0x1b9: {  	s29 =	sshll.u32 s29, $0x9  }
0x1ba: {  	s28 =	sor.u32 s29, s28  }
0x1bb: {  	s29 =	sshra.s32 s28, $0x2  }
0x1bc: {  	s31 =	sadd.s32 $0x6D80, s29  }
0x1bd: {  	s28 =	sadd.s32 $0x12D80, s29;
	v7 =	vld [tilespmem:s31+$0x70]  }
0x1be: {  	v8 =	vld [tilespmem:s28+$0x70]  }
0x1bf: {  	v6 =	vld [tilespmem:s28+$0xFFFFFC00]  }
0x1c0: {  	v9 =	vld [tilespmem:s31+$0xFFFFFC10]  }
0x1c1: {  	v10 =	vld [tilespmem:s28+$0xFFFFFC10]  }
0x1c2: {  	v11 =	vld [tilespmem:s31+$0xFFFFFC20]  }
0x1c3: {  	v12 =	vld [tilespmem:s28+$0xFFFFFC20]  }
0x1c4: {  	v13 =	vld [tilespmem:s31+$0xFFFFFC30]  }
0x1c5: {  	v14 =	vld [tilespmem:s28+$0xFFFFFC30]  }
0x1c6: {  	v15 =	vld [tilespmem:s31+$0xFFFFFC40]  }
0x1c7: {  	v16 =	vld [tilespmem:s28+$0xFFFFFC40]  }
0x1c8: {  	v17 =	vld [tilespmem:s31+$0xFFFFFC50]  }
0x1c9: {  	v18 =	vld [tilespmem:s28+$0xFFFFFC50]  }
0x1ca: {  	v19 =	vld [tilespmem:s31+$0xFFFFFC60]  }
0x1cb: {  	v20 =	vld [tilespmem:s28+$0xFFFFFC60]  }
0x1cc: {  	v21 =	vld [tilespmem:s31+$0xFFFFFC70]  }
0x1cd: {  	v22 =	vld [tilespmem:s28+$0xFFFFFC70];
	v8 =	vsub.f32 v8, v7  }
0x1ce: {  	v23 =	vld [tilespmem:s31+$0x0];
	v10 =	vsub.f32 v10, v9  }
0x1cf: {  	v24 =	vld [tilespmem:s28+$0x0];
	v12 =	vsub.f32 v12, v11;
	v8 =	vmul.f32 v8, v5  }
0x1d0: {  	v25 =	vld [tilespmem:s31+$0x10];
	v14 =	vsub.f32 v14, v13;
	v10 =	vmul.f32 v10, v5  }
0x1d1: {  	v7 =	vadd.f32 v8, v7;
	v8 =	vmul.f32 v12, v5;
	v12 =	vsub.f32 v16, v15;
	v16 =	vld [tilespmem:s28+$0x10]  }
0x1d2: {  	s29 =	sadd.s32 $0x18D80, s29;
	v63 =	vld [tilespmem:s28+$0x20];
	v9 =	vadd.f32 v10, v9;
	v10 =	vmul.f32 v14, v5;
	v14 =	vsub.f32 v18, v17  }
0x1d3: {  	v18 =	vld [tilespmem:s31+$0x20];
	[tilespmem:s29+$0x70] =	vst v7;
	v8 =	vadd.f32 v8, v11;
	v11 =	vmul.f32 v12, v5;
	v12 =	vsub.f32 v20, v19  }
0x1d4: {  	[tilespmem:s29+$0xFFFFFC10] =	vst v9;
	v9 =	vadd.f32 v10, v13;
	v10 =	vmul.f32 v14, v5;
	v13 =	vsub.f32 v22, v21;
	v7 =	vld [tilespmem:s31+$0x30]  }
0x1d5: {  	v14 =	vsub.f32 v24, v23;
	[tilespmem:s29+$0xFFFFFC20] =	vst v8;
	v11 =	vadd.f32 v11, v15;
	v12 =	vmul.f32 v12, v5;
	v15 =	vld [tilespmem:s28+$0x30]  }
0x1d6: {  	[tilespmem:s29+$0xFFFFFC30] =	vst v9;
	v9 =	vadd.f32 v10, v17;
	v10 =	vmul.f32 v13, v5;
	v8 =	vld [tilespmem:s31+$0x40];
	v13 =	vsub.f32 v16, v25  }
0x1d7: {  	v16 =	vld [tilespmem:s28+$0x40];
	[tilespmem:s29+$0xFFFFFC40] =	vst v11;
	v11 =	vadd.f32 v12, v19;
	v12 =	vmul.f32 v14, v5  }
0x1d8: {  	[tilespmem:s29+$0xFFFFFC50] =	vst v9;
	v10 =	vadd.f32 v10, v21;
	v14 =	vsub.f32 v63, v18;
	v9 =	vld [tilespmem:s31+$0x50];
	v13 =	vmul.f32 v13, v5  }
0x1d9: {  	[tilespmem:s29+$0xFFFFFC60] =	vst v11;
	v11 =	vadd.f32 v12, v23;
	v12 =	vld [tilespmem:s28+$0x50]  }
0x1da: {  	[tilespmem:s29+$0xFFFFFC70] =	vst v10;
	v14 =	vmul.f32 v14, v5;
	v10 =	vld [tilespmem:s31+$0x60];
	v17 =	vadd.f32 v13, v25;
	v15 =	vsub.f32 v15, v7  }
0x1db: {  	v13 =	vld [tilespmem:s28+$0x60];
	[tilespmem:s29+$0x0] =	vst v11  }
0x1dc: {  	s30 =	simm.s32 $0x0;
	v11 =	vld [tilespmem:s31+$0xFFFFFC00];
	v14 =	vadd.f32 v14, v18;
	v16 =	vsub.f32 v16, v8;
	s31 =	sadd.s32 $0x800, s31;
	[tilespmem:s29+$0x10] =	vst v17;
	v15 =	vmul.f32 v15, v5  }
.LBB2_12:
0x1dd: {  	v17 =	vld [tilespmem:s31+$0x70];
	s28 =	sadd.s32 $0x800, s28  }
0x1de: {  	s30 =	sadd.s32 $0x10, s30;
	v18 =	vld [tilespmem:s28+$0x70];
	[tilespmem:s29+$0x20] =	vst v14;
	v7 =	vadd.f32 v15, v7;
	v14 =	vmul.f32 v16, v5;
	v12 =	vsub.f32 v12, v9  }
0x1df: {  	p1 =	slt.u32 s30, $0x20;
	v15 =	vld [tilespmem:s28+$0xFFFFFC00]  }
0x1e0: {  	v16 =	vld [tilespmem:s31+$0xFFFFFC10];
	[tilespmem:s29+$0x30] =	vst v7;
	v7 =	vadd.f32 v14, v8;
	v8 =	vmul.f32 v12, v5;
	v12 =	vsub.f32 v13, v10  }
0x1e1: {  	v13 =	vld [tilespmem:s28+$0xFFFFFC10];
	v20 =	vsub.f32 v6, v11  }
0x1e2: {  	v14 =	vld [tilespmem:s31+$0xFFFFFC20];
	[tilespmem:s29+$0x40] =	vst v7;
	v7 =	vadd.f32 v8, v9;
	v8 =	vmul.f32 v12, v5  }
0x1e3: {  	v9 =	vld [tilespmem:s28+$0xFFFFFC20];
	v12 =	vsub.f32 v18, v17;
	v18 =	vmul.f32 v20, v5  }
0x1e4: {  	v19 =	vld [tilespmem:s31+$0xFFFFFC30];
	[tilespmem:s29+$0x50] =	vst v7;
	v7 =	vadd.f32 v8, v10;
	v6 =	vmov v15  }
0x1e5: {  	v8 =	vld [tilespmem:s28+$0xFFFFFC30];
	v10 =	vmul.f32 v12, v5;
	v11 =	vadd.f32 v18, v11  }
0x1e6: {  	v12 =	vsub.f32 v13, v16;
	v13 =	vld [tilespmem:s31+$0xFFFFFC40];
	[tilespmem:s29+$0x60] =	vst v7  }
0x1e7: {  	v7 =	vld [tilespmem:s28+$0xFFFFFC40];
	v10 =	vadd.f32 v10, v17;
	[tilespmem:s29+$0xFFFFFC00] =	vst v11  }
0x1e8: {  	s29 =	sadd.s32 $0x800, s29;
	v11 =	vmul.f32 v12, v5;
	v9 =	vsub.f32 v9, v14;
	v12 =	vld [tilespmem:s31+$0xFFFFFC50]  }
0x1e9: {  	v15 =	vld [tilespmem:s28+$0xFFFFFC50];
	[tilespmem:s29+$0x70] =	vst v10  }
0x1ea: {  	v10 =	vadd.f32 v11, v16;
	v9 =	vmul.f32 v9, v5;
	v8 =	vsub.f32 v8, v19;
	v11 =	vld [tilespmem:s31+$0xFFFFFC60]  }
0x1eb: {  	v16 =	vld [tilespmem:s28+$0xFFFFFC60]  }
0x1ec: {  	[tilespmem:s29+$0xFFFFFC10] =	vst v10;
	v9 =	vadd.f32 v9, v14;
	v8 =	vmul.f32 v8, v5;
	v7 =	vsub.f32 v7, v13;
	v10 =	vld [tilespmem:s31+$0xFFFFFC70]  }
0x1ed: {  	v14 =	vld [tilespmem:s28+$0xFFFFFC70]  }
0x1ee: {  	[tilespmem:s29+$0xFFFFFC20] =	vst v9;
	v8 =	vadd.f32 v8, v19;
	v7 =	vmul.f32 v7, v5;
	v9 =	vsub.f32 v15, v12;
	v15 =	vld [tilespmem:s31+$0x0]  }
0x1ef: {  	v17 =	vld [tilespmem:s28+$0x0]  }
0x1f0: {  	[tilespmem:s29+$0xFFFFFC30] =	vst v8;
	v7 =	vadd.f32 v7, v13;
	v8 =	vmul.f32 v9, v5;
	v9 =	vsub.f32 v16, v11;
	v13 =	vld [tilespmem:s31+$0x10]  }
0x1f1: {  	v16 =	vld [tilespmem:s28+$0x10]  }
0x1f2: {  	[tilespmem:s29+$0xFFFFFC40] =	vst v7;
	v7 =	vadd.f32 v8, v12;
	v8 =	vmul.f32 v9, v5;
	v9 =	vsub.f32 v14, v10;
	v14 =	vld [tilespmem:s31+$0x20]  }
0x1f3: {  	v12 =	vld [tilespmem:s28+$0x20]  }
0x1f4: {  	[tilespmem:s29+$0xFFFFFC50] =	vst v7;
	v8 =	vadd.f32 v8, v11;
	v9 =	vmul.f32 v9, v5;
	v11 =	vsub.f32 v17, v15;
	v7 =	vld [tilespmem:s31+$0x30]  }
0x1f5: {  	v17 =	vld [tilespmem:s28+$0x30]  }
0x1f6: {  	[tilespmem:s29+$0xFFFFFC60] =	vst v8;
	v9 =	vadd.f32 v9, v10;
	v10 =	vmul.f32 v11, v5;
	v11 =	vsub.f32 v16, v13;
	v8 =	vld [tilespmem:s31+$0x40]  }
0x1f7: {  	v16 =	vld [tilespmem:s28+$0x40]  }
.Ltmp4:
0x1f8: {  	[tilespmem:s29+$0xFFFFFC70] =	vst v9;
	v10 =	vadd.f32 v10, v15;
	v11 =	vmul.f32 v11, v5;
	v15 =	vsub.f32 v12, v14;
	v9 =	vld [tilespmem:s31+$0x50];
	(pc) =	sbr.rel @p1 .LBB2_12-.Ltmp4, $4  }
0x1f9: {  	v12 =	vld [tilespmem:s28+$0x50]  }
0x1fa: {  	[tilespmem:s29+$0x0] =	vst v10;
	v18 =	vadd.f32 v11, v13;
	v15 =	vmul.f32 v15, v5;
	v17 =	vsub.f32 v17, v7;
	v10 =	vld [tilespmem:s31+$0x60]  }
0x1fb: {  	v13 =	vld [tilespmem:s28+$0x60]  }
0x1fc: {  	v11 =	vld [tilespmem:s31+$0xFFFFFC00];
	[tilespmem:s29+$0x10] =	vst v18;
	v14 =	vadd.f32 v15, v14;
	v15 =	vmul.f32 v17, v5;
	v16 =	vsub.f32 v16, v8;
	s31 =	sadd.s32 $0x800, s31  }
0x1fd: {  	_ =	sdelay $0x1  }
0x1fe: {  	v12 =	vsub.f32 v12, v9  }
0x1ff: {  	v16 =	vmul.f32 v16, v5;
	v13 =	vsub.f32 v13, v10  }
0x200: {  	s26 =	sadd.s32 $0x1, s26;
	v7 =	vadd.f32 v15, v7;
	v12 =	vmul.f32 v12, v5;
	v6 =	vsub.f32 v6, v11  }
0x201: {  	[tilespmem:s29+$0x20] =	vst v14;
	p1 =	sne.s32 s26, $0x10;
	v8 =	vadd.f32 v16, v8;
	v13 =	vmul.f32 v13, v5  }
.Ltmp5:
0x202: {  	[tilespmem:s29+$0x30] =	vst v7;
	v7 =	vadd.f32 v12, v9;
	v6 =	vmul.f32 v6, v5;
	(pc) =	sbr.rel @p1 .LBB2_11-.Ltmp5, $4  }
0x203: {  	[tilespmem:s29+$0x40] =	vst v8;
	v63 =	vadd.f32 v13, v10  }
0x204: {  	[tilespmem:s29+$0x50] =	vst v7;
	v6 =	vadd.f32 v6, v11  }
0x205: {  	[tilespmem:s29+$0x60] =	vst v63  }
0x206: {  	s25 =	sadd.s32 $0x1, s25;
	[tilespmem:s29+$0xFFFFFC00] =	vst v6  }
0x207: {  	s20 =	sadd.s32 s15, s20  }
0x208: {  	[hbm4b:s20+s5] =	stream.linear.scatter [tilespmem:s21], [sflag:$0x5], $0x3000, $0x38;
	[tilespmem:$0x1E980] =	vst v63  }
0x209: {  	v6 =	vld @!p0 [tilespmem:s10+$0x60];
	_ =	sdelay $0x4  }
0x20a: {  	v6 =	vadd.s32 @!p0 v3, v6  }
0x20b: {  	v7 =	vshrl.u32 @!p0 v6, $0x3  }
0x20c: {  	v7 =	vmul.u32 @!p0 $0x30, v7  }
0x20d: {  	v8 =	vlaneseq.u32 @!p0;
	v6 =	vand.u32 @!p0 $0x7, v6  }
0x20e: {  	v9 =	vshrl.u32 @!p0 v8, $0x3;
	v6 =	vor.u32 @!p0 v6, v7;
	v7 =	vand.u32 @!p0 $0x7, v8  }
0x20f: {  	v9 =	vmul.u32 @!p0 $0x8, v9;
	v10 =	vperm.xlane @!p0 v6, v7;
	_ =	sdelay $0x1  }
0x210: {  	v11 =	vld @!p0 [tilespmem:s10+$0x460];
	v10 =	vadd.s32 @!p0 v9, v10;
	_ =	sdelay $0x2  }
0x211: {  	v8 =	vor.u32 @!p0 $0x8, v8  }
0x212: {  	s20 =	simm.s32 @!p0 $0x6980;
	s10 =	simm.s32 @!p0 $0x0;
	v6 =	vperm.xlane @!p0 v6, v8  }
0x213: {  	v11 =	vadd.s32 @!p0 v4, v11;
	[tilespmem:s20], [sflag:$0x3] =	stream.indirect_vreg.gather @!p0 [hbm4b:s1+s10], $0x80, v10, vm1, $0xb8;
	[tilespmem:$0x1E980] =	vst v63  }
0x214: {  	v12 =	vshrl.u32 @!p0 v11, $0x3;
	v6 =	vadd.s32 @!p0 v9, v6;
	s20 =	simm.s32 @!p0 $0x7180  }
0x215: {  	v12 =	vmul.u32 @!p0 $0x30, v12;
	[tilespmem:s20], [sflag:$0x3] =	stream.indirect_vreg.gather @!p0 [hbm4b:s12+s10], $0x80, v10, vm1, $0xb8;
	[tilespmem:$0x1E980] =	vst v63  }
0x216: {  	v11 =	vand.u32 @!p0 $0x7, v11;
	s20 =	simm.s32 @!p0 $0x7980  }
0x217: {  	[tilespmem:s20], [sflag:$0x3] =	stream.indirect_vreg.gather @!p0 [hbm4b:s13+s10], $0x80, v10, vm1, $0xb8;
	v10 =	vor.u32 @!p0 v11, v12;
	[tilespmem:$0x1E980] =	vst v63  }
0x218: {  	s20 =	simm.s32 @!p0 $0x8180;
	v7 =	vperm.xlane @!p0 v10, v7  }
0x219: {  	[tilespmem:s20], [sflag:$0x3] =	stream.indirect_vreg.gather @!p0 [hbm4b:s1+s10], $0x80, v6, vm1, $0xb8;
	[tilespmem:$0x1E980] =	vst v63  }
0x21a: {  	s20 =	simm.s32 @!p0 $0x8980;
	v7 =	vadd.s32 @!p0 v9, v7  }
0x21b: {  	[tilespmem:s20], [sflag:$0x3] =	stream.indirect_vreg.gather @!p0 [hbm4b:s12+s10], $0x80, v6, vm1, $0xb8;
	[tilespmem:$0x1E980] =	vst v63  }
0x21c: {  	s20 =	simm.s32 @!p0 $0x9180  }
0x21d: {  	[tilespmem:s20], [sflag:$0x3] =	stream.indirect_vreg.gather @!p0 [hbm4b:s13+s10], $0x80, v6, vm1, $0xb8;
	[tilespmem:$0x1E980] =	vst v63  }
0x21e: {  	s20 =	simm.s32 @!p0 $0x12980;
	v6 =	vperm.xlane @!p0 v10, v8  }
0x21f: {  	[tilespmem:s20], [sflag:$0x3] =	stream.indirect_vreg.gather @!p0 [hbm4b:s1+s10], $0x80, v7, vm1, $0xb8;
	[tilespmem:$0x1E980] =	vst v63  }
0x220: {  	s20 =	simm.s32 @!p0 $0x13180;
	v6 =	vadd.s32 @!p0 v9, v6  }
0x221: {  	[tilespmem:s20], [sflag:$0x3] =	stream.indirect_vreg.gather @!p0 [hbm4b:s12+s10], $0x80, v7, vm1, $0xb8;
	[tilespmem:$0x1E980] =	vst v63  }
0x222: {  	s20 =	simm.s32 @!p0 $0x13980  }
0x223: {  	[tilespmem:s20], [sflag:$0x3] =	stream.indirect_vreg.gather @!p0 [hbm4b:s13+s10], $0x80, v7, vm1, $0xb8;
	[tilespmem:$0x1E980] =	vst v63  }
0x224: {  	s20 =	simm.s32 @!p0 $0x14180  }
0x225: {  	[tilespmem:s20], [sflag:$0x3] =	stream.indirect_vreg.gather @!p0 [hbm4b:s1+s10], $0x80, v6, vm1, $0xb8;
	[tilespmem:$0x1E980] =	vst v63  }
0x226: {  	s20 =	simm.s32 @!p0 $0x14980  }
0x227: {  	[tilespmem:s20], [sflag:$0x3] =	stream.indirect_vreg.gather @!p0 [hbm4b:s12+s10], $0x80, v6, vm1, $0xb8;
	[tilespmem:$0x1E980] =	vst v63  }
0x228: {  	s20 =	simm.s32 @!p0 $0x15180  }
0x229: {  	[tilespmem:s20], [sflag:$0x3] =	stream.indirect_vreg.gather @!p0 [hbm4b:s13+s10], $0x80, v6, vm1, $0xb8;
	[tilespmem:$0x1E980] =	vst v63  }
0x22a: {  	_ =	swait.ge [sflag:s8], $0x3000  }
0x22b: {  	[sflag:s8] =	ssyncset.done $0x0  }
0x22c: {  	[sflag:s8] =	ssyncadd.s32 $0xFFFFD000  }
0x22d: {  	_ =	swait.ge [sflag:s8], $0x3000  }
0x22e: {  	[sflag:s8] =	ssyncset.done $0x0  }
0x22f: {  	[sflag:s8] =	ssyncadd.s32 $0xFFFFD000  }
0x230: {  	_ =	swait.ge [sflag:s9], $0x3000  }
0x231: {  	[sflag:s9] =	ssyncset.done $0x0  }
0x232: {  	s10 =	simm.s32 $0x0;
	s20 =	simm.s32 $0x0;
	[sflag:s9] =	ssyncadd.s32 $0xFFFFD000  }
.LBB2_15:
0x233: {  	s25 =	sshrl.u32 s20, $0x3  }
0x234: {  	s26 =	sand.u32 $0x7, s10;
	s25 =	smul.u32 $0x6000, s25  }
0x235: {  	s26 =	sshll.u32 s26, $0x9  }
0x236: {  	s25 =	sor.u32 s26, s25  }
0x237: {  	s26 =	sshra.s32 s25, $0x2  }
0x238: {  	s29 =	sadd.s32 $0x9D80, s26  }
0x239: {  	s25 =	sadd.s32 $0x15D80, s26;
	v7 =	vld [tilespmem:s29+$0x70]  }
0x23a: {  	v8 =	vld [tilespmem:s25+$0x70]  }
0x23b: {  	v6 =	vld [tilespmem:s25+$0xFFFFFC00]  }
0x23c: {  	v9 =	vld [tilespmem:s29+$0xFFFFFC10]  }
0x23d: {  	v10 =	vld [tilespmem:s25+$0xFFFFFC10]  }
0x23e: {  	v11 =	vld [tilespmem:s29+$0xFFFFFC20]  }
0x23f: {  	v12 =	vld [tilespmem:s25+$0xFFFFFC20]  }
0x240: {  	v13 =	vld [tilespmem:s29+$0xFFFFFC30]  }
0x241: {  	v14 =	vld [tilespmem:s25+$0xFFFFFC30]  }
0x242: {  	v15 =	vld [tilespmem:s29+$0xFFFFFC40]  }
0x243: {  	v16 =	vld [tilespmem:s25+$0xFFFFFC40]  }
0x244: {  	v17 =	vld [tilespmem:s29+$0xFFFFFC50]  }
0x245: {  	v18 =	vld [tilespmem:s25+$0xFFFFFC50]  }
0x246: {  	v19 =	vld [tilespmem:s29+$0xFFFFFC60]  }
0x247: {  	v20 =	vld [tilespmem:s25+$0xFFFFFC60]  }
0x248: {  	v21 =	vld [tilespmem:s29+$0xFFFFFC70]  }
0x249: {  	v22 =	vld [tilespmem:s25+$0xFFFFFC70];
	v8 =	vsub.f32 v8, v7  }
0x24a: {  	v23 =	vld [tilespmem:s29+$0x0];
	v10 =	vsub.f32 v10, v9  }
0x24b: {  	v24 =	vld [tilespmem:s25+$0x0];
	v12 =	vsub.f32 v12, v11;
	v8 =	vmul.f32 v8, v5  }
0x24c: {  	v25 =	vld [tilespmem:s29+$0x10];
	v14 =	vsub.f32 v14, v13;
	v10 =	vmul.f32 v10, v5  }
0x24d: {  	v7 =	vadd.f32 v8, v7;
	v8 =	vmul.f32 v12, v5;
	v12 =	vsub.f32 v16, v15;
	v16 =	vld [tilespmem:s25+$0x10]  }
0x24e: {  	s26 =	sadd.s32 $0x1BD80, s26;
	v63 =	vld [tilespmem:s25+$0x20];
	v9 =	vadd.f32 v10, v9;
	v10 =	vmul.f32 v14, v5;
	v14 =	vsub.f32 v18, v17  }
0x24f: {  	v18 =	vld [tilespmem:s29+$0x20];
	[tilespmem:s26+$0x70] =	vst v7;
	v8 =	vadd.f32 v8, v11;
	v11 =	vmul.f32 v12, v5;
	v12 =	vsub.f32 v20, v19  }
0x250: {  	[tilespmem:s26+$0xFFFFFC10] =	vst v9;
	v9 =	vadd.f32 v10, v13;
	v10 =	vmul.f32 v14, v5;
	v13 =	vsub.f32 v22, v21;
	v7 =	vld [tilespmem:s29+$0x30]  }
0x251: {  	v14 =	vsub.f32 v24, v23;
	[tilespmem:s26+$0xFFFFFC20] =	vst v8;
	v11 =	vadd.f32 v11, v15;
	v12 =	vmul.f32 v12, v5;
	v15 =	vld [tilespmem:s25+$0x30]  }
0x252: {  	[tilespmem:s26+$0xFFFFFC30] =	vst v9;
	v9 =	vadd.f32 v10, v17;
	v10 =	vmul.f32 v13, v5;
	v8 =	vld [tilespmem:s29+$0x40];
	v13 =	vsub.f32 v16, v25  }
0x253: {  	v16 =	vld [tilespmem:s25+$0x40];
	[tilespmem:s26+$0xFFFFFC40] =	vst v11;
	v11 =	vadd.f32 v12, v19;
	v12 =	vmul.f32 v14, v5  }
0x254: {  	[tilespmem:s26+$0xFFFFFC50] =	vst v9;
	v10 =	vadd.f32 v10, v21;
	v14 =	vsub.f32 v63, v18;
	v9 =	vld [tilespmem:s29+$0x50];
	v13 =	vmul.f32 v13, v5  }
0x255: {  	[tilespmem:s26+$0xFFFFFC60] =	vst v11;
	v11 =	vadd.f32 v12, v23;
	v12 =	vld [tilespmem:s25+$0x50]  }
0x256: {  	[tilespmem:s26+$0xFFFFFC70] =	vst v10;
	v14 =	vmul.f32 v14, v5;
	v10 =	vld [tilespmem:s29+$0x60];
	v17 =	vadd.f32 v13, v25;
	v15 =	vsub.f32 v15, v7  }
0x257: {  	v13 =	vld [tilespmem:s25+$0x60];
	[tilespmem:s26+$0x0] =	vst v11  }
0x258: {  	s28 =	simm.s32 $0x0;
	v11 =	vld [tilespmem:s29+$0xFFFFFC00];
	v14 =	vadd.f32 v14, v18;
	v16 =	vsub.f32 v16, v8;
	s29 =	sadd.s32 $0x800, s29;
	[tilespmem:s26+$0x10] =	vst v17;
	v15 =	vmul.f32 v15, v5  }
.LBB2_16:
0x259: {  	v17 =	vld [tilespmem:s29+$0x70];
	s25 =	sadd.s32 $0x800, s25  }
0x25a: {  	s28 =	sadd.s32 $0x10, s28;
	v18 =	vld [tilespmem:s25+$0x70];
	[tilespmem:s26+$0x20] =	vst v14;
	v7 =	vadd.f32 v15, v7;
	v14 =	vmul.f32 v16, v5;
	v12 =	vsub.f32 v12, v9  }
0x25b: {  	p0 =	slt.u32 s28, $0x20;
	v15 =	vld [tilespmem:s25+$0xFFFFFC00]  }
0x25c: {  	v16 =	vld [tilespmem:s29+$0xFFFFFC10];
	[tilespmem:s26+$0x30] =	vst v7;
	v7 =	vadd.f32 v14, v8;
	v8 =	vmul.f32 v12, v5;
	v12 =	vsub.f32 v13, v10  }
0x25d: {  	v13 =	vld [tilespmem:s25+$0xFFFFFC10];
	v20 =	vsub.f32 v6, v11  }
0x25e: {  	v14 =	vld [tilespmem:s29+$0xFFFFFC20];
	[tilespmem:s26+$0x40] =	vst v7;
	v7 =	vadd.f32 v8, v9;
	v8 =	vmul.f32 v12, v5  }
0x25f: {  	v9 =	vld [tilespmem:s25+$0xFFFFFC20];
	v12 =	vsub.f32 v18, v17;
	v18 =	vmul.f32 v20, v5  }
0x260: {  	v19 =	vld [tilespmem:s29+$0xFFFFFC30];
	[tilespmem:s26+$0x50] =	vst v7;
	v7 =	vadd.f32 v8, v10;
	v6 =	vmov v15  }
0x261: {  	v8 =	vld [tilespmem:s25+$0xFFFFFC30];
	v10 =	vmul.f32 v12, v5;
	v11 =	vadd.f32 v18, v11  }
0x262: {  	v12 =	vsub.f32 v13, v16;
	v13 =	vld [tilespmem:s29+$0xFFFFFC40];
	[tilespmem:s26+$0x60] =	vst v7  }
0x263: {  	v7 =	vld [tilespmem:s25+$0xFFFFFC40];
	v10 =	vadd.f32 v10, v17;
	[tilespmem:s26+$0xFFFFFC00] =	vst v11  }
0x264: {  	s26 =	sadd.s32 $0x800, s26;
	v11 =	vmul.f32 v12, v5;
	v9 =	vsub.f32 v9, v14;
	v12 =	vld [tilespmem:s29+$0xFFFFFC50]  }
0x265: {  	v15 =	vld [tilespmem:s25+$0xFFFFFC50];
	[tilespmem:s26+$0x70] =	vst v10  }
0x266: {  	v10 =	vadd.f32 v11, v16;
	v9 =	vmul.f32 v9, v5;
	v8 =	vsub.f32 v8, v19;
	v11 =	vld [tilespmem:s29+$0xFFFFFC60]  }
0x267: {  	v16 =	vld [tilespmem:s25+$0xFFFFFC60]  }
0x268: {  	[tilespmem:s26+$0xFFFFFC10] =	vst v10;
	v9 =	vadd.f32 v9, v14;
	v8 =	vmul.f32 v8, v5;
	v7 =	vsub.f32 v7, v13;
	v10 =	vld [tilespmem:s29+$0xFFFFFC70]  }
0x269: {  	v14 =	vld [tilespmem:s25+$0xFFFFFC70]  }
0x26a: {  	[tilespmem:s26+$0xFFFFFC20] =	vst v9;
	v8 =	vadd.f32 v8, v19;
	v7 =	vmul.f32 v7, v5;
	v9 =	vsub.f32 v15, v12;
	v15 =	vld [tilespmem:s29+$0x0]  }
0x26b: {  	v17 =	vld [tilespmem:s25+$0x0]  }
0x26c: {  	[tilespmem:s26+$0xFFFFFC30] =	vst v8;
	v7 =	vadd.f32 v7, v13;
	v8 =	vmul.f32 v9, v5;
	v9 =	vsub.f32 v16, v11;
	v13 =	vld [tilespmem:s29+$0x10]  }
0x26d: {  	v16 =	vld [tilespmem:s25+$0x10]  }
0x26e: {  	[tilespmem:s26+$0xFFFFFC40] =	vst v7;
	v7 =	vadd.f32 v8, v12;
	v8 =	vmul.f32 v9, v5;
	v9 =	vsub.f32 v14, v10;
	v14 =	vld [tilespmem:s29+$0x20]  }
0x26f: {  	v12 =	vld [tilespmem:s25+$0x20]  }
0x270: {  	[tilespmem:s26+$0xFFFFFC50] =	vst v7;
	v8 =	vadd.f32 v8, v11;
	v9 =	vmul.f32 v9, v5;
	v11 =	vsub.f32 v17, v15;
	v7 =	vld [tilespmem:s29+$0x30]  }
0x271: {  	v17 =	vld [tilespmem:s25+$0x30]  }
0x272: {  	[tilespmem:s26+$0xFFFFFC60] =	vst v8;
	v9 =	vadd.f32 v9, v10;
	v10 =	vmul.f32 v11, v5;
	v11 =	vsub.f32 v16, v13;
	v8 =	vld [tilespmem:s29+$0x40]  }
0x273: {  	v16 =	vld [tilespmem:s25+$0x40]  }
.Ltmp6:
0x274: {  	[tilespmem:s26+$0xFFFFFC70] =	vst v9;
	v10 =	vadd.f32 v10, v15;
	v11 =	vmul.f32 v11, v5;
	v15 =	vsub.f32 v12, v14;
	v9 =	vld [tilespmem:s29+$0x50];
	(pc) =	sbr.rel @p0 .LBB2_16-.Ltmp6, $4  }
0x275: {  	v12 =	vld [tilespmem:s25+$0x50]  }
0x276: {  	[tilespmem:s26+$0x0] =	vst v10;
	v18 =	vadd.f32 v11, v13;
	v15 =	vmul.f32 v15, v5;
	v17 =	vsub.f32 v17, v7;
	v10 =	vld [tilespmem:s29+$0x60]  }
0x277: {  	v13 =	vld [tilespmem:s25+$0x60]  }
0x278: {  	v11 =	vld [tilespmem:s29+$0xFFFFFC00];
	[tilespmem:s26+$0x10] =	vst v18;
	v14 =	vadd.f32 v15, v14;
	v15 =	vmul.f32 v17, v5;
	v16 =	vsub.f32 v16, v8;
	s29 =	sadd.s32 $0x800, s29  }
0x279: {  	_ =	sdelay $0x1  }
0x27a: {  	v12 =	vsub.f32 v12, v9  }
0x27b: {  	v16 =	vmul.f32 v16, v5;
	v13 =	vsub.f32 v13, v10  }
0x27c: {  	s20 =	sadd.s32 $0x1, s20;
	v7 =	vadd.f32 v15, v7;
	v12 =	vmul.f32 v12, v5;
	v6 =	vsub.f32 v6, v11  }
0x27d: {  	[tilespmem:s26+$0x20] =	vst v14;
	p0 =	sne.s32 s20, $0x10;
	v8 =	vadd.f32 v16, v8;
	v13 =	vmul.f32 v13, v5  }
.Ltmp7:
0x27e: {  	[tilespmem:s26+$0x30] =	vst v7;
	v7 =	vadd.f32 v12, v9;
	v6 =	vmul.f32 v6, v5;
	(pc) =	sbr.rel @p0 .LBB2_15-.Ltmp7, $4  }
0x27f: {  	[tilespmem:s26+$0x40] =	vst v8;
	v63 =	vadd.f32 v13, v10  }
0x280: {  	[tilespmem:s26+$0x50] =	vst v7;
	v6 =	vadd.f32 v6, v11  }
0x281: {  	[tilespmem:s26+$0x60] =	vst v63  }
0x282: {  	s10 =	sadd.s32 $0x1, s10;
	[tilespmem:s26+$0xFFFFFC00] =	vst v6  }
0x283: {  	s11 =	sadd.s32 $0x1, s11  }
0x284: {  	s10 =	sor.u32 s3, s14;
	p0 =	sne.s32 s11, $0x10  }
.Ltmp8:
0x285: {  	s10 =	sshrl.u32 s10, $0x3;
	(pc) =	sbr.rel @p0 .LBB2_2-.Ltmp8, $3  }
0x286: {  	s10 =	smul.u32 $0x300, s10;
	_ =	sdelay $0x1  }
0x287: {  	s10 =	sadd.s32 s4, s10  }
0x288: {  	[hbm4b:s10+s5] =	stream.linear.scatter [tilespmem:s23], [sflag:$0x6], $0x3000, $0x38;
	[tilespmem:$0x1E980] =	vst v63  }
0x289: {  	_ =	swait.ge [sflag:s7], $0x3000  }
0x28a: {  	[sflag:s7] =	ssyncset.done $0x0  }
0x28b: {  	[sflag:s7] =	ssyncadd.s32 $0xFFFFD000  }
0x28c: {  	_ =	swait.ge [sflag:s9], $0x3000  }
0x28d: {  	s11 =	rddreg [dreg:$0xa]  }
0x28e: {  	s10 =	rddreg [dreg:$0x9];
	s11 =	sadd.s32 $0x1, s11  }
0x28f: {  	p0 =	sne.s32 s11, s10  }
.Ltmp9:
0x290: {  	_ = 	snop;
	(pc) =	sbr.rel @p0 .LBB2_1-.Ltmp9, $3  }
0x291: {  	_ =	sdelay $0x1  }
0x292: {  	[sflag:s9] =	ssyncset.done $0x0  }
0x293: {  	[sflag:s9] =	ssyncadd.s32 $0xFFFFD000  }
0x294: {  	_ =	sfence.sel $0x180000  }
0x295: {  	[bflag:$0x0] =	sbarrier.arrive $0xFFFF  }
0x296: {  	_ =	strace $0x90000047  }
0x297: {  	s0 =	stileid.u32;
	[bflag:$0x2] =	sbarrier.arrive $0xFFFF  }
0x298: {  	p0 =	sne.s32 s0, $0x0;
	s0 =	rddreg [dreg:$0x3]  }
0x299: {  	s0 =	sadd.s32 @!p0 $0x100000, s0  }
0x29a: {  	[sflag:s0] =	ssyncadd.tile.s32 @!p0 $0x1;
	_ =	shalt  }
.Lfunc_end2:
_tile_overlayer_lowered:
.L_overlay_start_2:
0x29b: {  	(tag) =	ssettag $0x2  }
0x29c: {  	s0 =	rddreg [dreg:$0x0];
	s2 =	stileid.u32  }
0x29d: {  	s1 =	rddreg [dreg:$0x1];
	p0 =	sne.s32 s2, $0x0  }
0x29e: {  	s3 =	rddreg [dreg:$0x2];
	[bflag:$0x3] =	sbarrier.arrive $0xFFFF;
	s2 =	simm.s32 @!p0 $0x1C08  }
0x29f: {  	[timem:s3], [sflag:s2] =	dma.local @!p0 [hbm:s0], s1  }
0x2a0: {  	s0 =	simm.s32 @!p0 $0x8  }
0x2a1: {  	_ =	swait.ge @!p0 [sflag:s0], s1  }
0x2a2: {  	s1 =	ssub.s32 @!p0 $0x0, s1;
	[sflag:s0] =	ssyncset.done @!p0 $0x0  }
0x2a3: {  	[sflag:s0] =	ssyncadd.s32 @!p0 s1  }
0x2a4: {  	[bflag:$0x3] =	sbarrier.arrive $0xFFFF  }
0x2a5: {  	_ =	shalt  }

</sc_bundles>
